<compile_context>
chip_gen: v7x
topology: tpu7x:2x2x1
jax: 0.10.2.dev20260603
libtpu: 0.0.44.dev20260713+nightly
codegen_flags: <defaults>
</compile_context>

<pallas_src>
import functools

import jax
import jax.numpy as jnp
from jax import lax
from jax.experimental import pallas as pl
from jax.experimental.pallas import tpu as pltpu
from jax.experimental.pallas import tpu_sc as plsc

NS = 16
NCORE = 2
BATCH = 128
CHUNK = 2
ROW_BLOCK = 2000

_HI = jax.lax.Precision.HIGHEST


def _mm(a, b):
    return jnp.matmul(a, b, precision=_HI)




@functools.lru_cache(maxsize=None)
def _make_spmm(n, nbat):
    acc_rows = ((n + NS * 8 - 1) // (NS * 8) + 1) * NS * 8
    garbage = acc_rows - n
    span = acc_rows // NS
    bpt = nbat // NS
    nch = bpt // CHUNK
    assert bpt % CHUNK == 0 and span % 8 == 0 and garbage % 8 == 0
    nz128, zrem = divmod(span, BATCH)
    assert zrem % 8 == 0

    mesh = plsc.VectorSubcoreMesh(
        core_axis_name="c", subcore_axis_name="s",
        num_cores=NCORE, num_subcores=NS,
    )

    def body(u_hbm, comb_hbm, out_hbm, acc, idx_v, rows_v, gsem, ssem):
        cid = lax.axis_index("c")
        sid = lax.axis_index("s")

        def _zb(i, c):
            rows_v[0, 0, i, pl.ds(0, 16)] = jnp.zeros((16,), jnp.float32)
            rows_v[0, 0, i, pl.ds(16, 16)] = jnp.zeros((16,), jnp.float32)
            return c
        lax.fori_loop(0, BATCH, _zb, 0)
        z0 = pl.multiple_of(sid * span, 8)

        def _zc(q, c):
            pltpu.sync_copy(
                rows_v.at[0, 0],
                acc.at[pl.ds(pl.multiple_of(z0 + q * BATCH, 8), BATCH)],
            )
            return c
        lax.fori_loop(0, nz128, _zc, 0)
        if zrem:
            pltpu.sync_copy(
                rows_v.at[0, 0, pl.ds(0, zrem)],
                acc.at[pl.ds(pl.multiple_of(z0 + nz128 * BATCH, 8), zrem)],
            )
        plsc.subcore_barrier()

        base = sid * bpt

        def chunk_body(k, c):
            cur = lax.rem(k, 2)
            prev = 1 - cur

            @pl.when(k > 0)
            def _():
                for j in range(CHUNK):
                    pltpu.make_async_copy(
                        rows_v.at[prev, j], acc.at[idx_v.at[prev, j, 1]], ssem
                    ).wait()

            pltpu.sync_copy(
                comb_hbm.at[cid, pl.ds(base + k * CHUNK, CHUNK)], idx_v.at[cur]
            )

            ds_ = [
                pltpu.async_copy(
                    u_hbm.at[idx_v.at[cur, j, 0]], rows_v.at[cur, j], gsem
                )
                for j in range(CHUNK)
            ]
            for d in ds_:
                d.wait()

            for j in range(CHUNK):
                pltpu.async_copy(
                    rows_v.at[cur, j], acc.at[idx_v.at[cur, j, 1]], ssem,
                    add=True,
                )
            return c

        lax.fori_loop(0, nch, chunk_body, 0)

        last = (nch - 1) % 2
        for j in range(CHUNK):
            pltpu.make_async_copy(
                rows_v.at[last, j], acc.at[idx_v.at[last, j, 1]], ssem
            ).wait()
        plsc.subcore_barrier()

        r0 = pl.multiple_of(sid * span, 8)

        @pl.when(sid < NS - 1)
        def _():
            pltpu.sync_copy(
                acc.at[pl.ds(r0, span)], out_hbm.at[cid, pl.ds(r0, span)]
            )

        @pl.when(sid == NS - 1)
        def _():
            pltpu.sync_copy(
                acc.at[pl.ds(r0, span - garbage)],
                out_hbm.at[cid, pl.ds(r0, span - garbage)],
            )

    return pl.kernel(
        body,
        out_type=jax.ShapeDtypeStruct((NCORE, n, 32), jnp.float32),
        mesh=mesh,
        compiler_params=pltpu.CompilerParams(use_tc_tiling_on_sc=False),
        scratch_types=[
            pltpu.VMEM_SHARED((acc_rows, 32), jnp.float32),
            pltpu.VMEM((2, CHUNK, 2, BATCH), jnp.int32),
            pltpu.VMEM((2, CHUNK, BATCH, 32), jnp.float32),
            pltpu.SemaphoreType.DMA,
            pltpu.SemaphoreType.DMA,
        ],
    )



def _full(shape):
    return pl.BlockSpec(shape, lambda i: (0,) * len(shape))


def _init_body(feat, wiT, bi, w1loT, w1hiT, b1lo, b1hi, h_out, u3_out):
    h = _mm(feat[...], wiT[...]) + bi[...]
    h_out[...] = h
    u3_out[0] = jnp.maximum(_mm(h, w1loT[...]) + b1lo[...], 0.0)
    u3_out[1] = jnp.maximum(_mm(h, w1hiT[...]) + b1hi[...], 0.0)


def _upd_body(a3, h, GrloT, GrhiT, GzloT, GzhiT, GnloT, GnhiT,
              HrT, HzT, HnT, br, bz, bni, bnh,
              w1loT, w1hiT, b1lo, b1hi, h_out, u3_out):
    alo = a3[0]
    ahi = a3[1]
    hh = h[...]
    gr = _mm(alo, GrloT[...]) + _mm(ahi, GrhiT[...]) + _mm(hh, HrT[...]) + br[...]
    gz = _mm(alo, GzloT[...]) + _mm(ahi, GzhiT[...]) + _mm(hh, HzT[...]) + bz[...]
    gni = _mm(alo, GnloT[...]) + _mm(ahi, GnhiT[...]) + bni[...]
    gnh = _mm(hh, HnT[...]) + bnh[...]
    r = jax.nn.sigmoid(gr)
    z = jax.nn.sigmoid(gz)
    nn = jnp.tanh(gni + r * gnh)
    hn = (1.0 - z) * nn + z * hh
    h_out[...] = hn
    u3_out[0] = jnp.maximum(_mm(hn, w1loT[...]) + b1lo[...], 0.0)
    u3_out[1] = jnp.maximum(_mm(hn, w1hiT[...]) + b1hi[...], 0.0)


def _cls_body(h, w1T, b1, w2T, b2, out):
    t = jnp.maximum(_mm(h[...], w1T[...]) + b1[...], 0.0)
    out[...] = _mm(t, w2T[...]) + b2[...]


@functools.lru_cache(maxsize=None)
def _make_tc(n, dim, dfeat):
    nb = n // ROW_BLOCK
    fB = ROW_BLOCK

    def row_spec(d):
        return pl.BlockSpec((fB, d), lambda i: (i, 0))

    def tri_spec():
        return pl.BlockSpec((2, fB, 32), lambda i: (0, i, 0))

    h_shape = jax.ShapeDtypeStruct((n, dim), jnp.float32)
    u3_shape = jax.ShapeDtypeStruct((2, n, 32), jnp.float32)

    init = pl.pallas_call(
        _init_body,
        grid=(nb,),
        in_specs=[
            row_spec(dfeat),
            _full((dfeat, dim)), _full((1, dim)),
            _full((dim, 32)), _full((dim, 32)),
            _full((1, 32)), _full((1, 32)),
        ],
        out_specs=[row_spec(dim), tri_spec()],
        out_shape=[h_shape, u3_shape],
    )

    upd = pl.pallas_call(
        _upd_body,
        grid=(nb,),
        in_specs=[
            tri_spec(), row_spec(dim),
            _full((32, dim)), _full((32, dim)),
            _full((32, dim)), _full((32, dim)),
            _full((32, dim)), _full((32, dim)),
            _full((dim, dim)), _full((dim, dim)), _full((dim, dim)),
            _full((1, dim)), _full((1, dim)), _full((1, dim)), _full((1, dim)),
            _full((dim, 32)), _full((dim, 32)),
            _full((1, 32)), _full((1, 32)),
        ],
        out_specs=[row_spec(dim), tri_spec()],
        out_shape=[h_shape, u3_shape],
    )

    return init, upd


@functools.lru_cache(maxsize=None)
def _make_cls(n, dim, dcls):
    nb = n // ROW_BLOCK

    return pl.pallas_call(
        _cls_body,
        grid=(nb,),
        in_specs=[
            pl.BlockSpec((ROW_BLOCK, dim), lambda i: (i, 0)),
            _full((dim, dcls)), _full((1, dcls)),
            _full((dcls, 1)), _full((1, 1)),
        ],
        out_specs=pl.BlockSpec((ROW_BLOCK, 1), lambda i: (i, 0)),
        out_shape=jax.ShapeDtypeStruct((n, 1), jnp.float32),
    )



def _fold_gru(dim, dhalf, w2, b2, wih):
    A_lo = jnp.zeros((dim, 32), jnp.float32)
    A_lo = A_lo.at[:, :dhalf].set(w2[:, :dhalf]).at[:, dhalf].set(b2)
    A_hi = jnp.zeros((dim, 32), jnp.float32)
    A_hi = A_hi.at[:, :dhalf].set(w2[:, dhalf:])
    G_lo = _mm(wih, A_lo)
    G_hi = _mm(wih, A_hi)
    out = []
    for g in range(3):
        out.append(G_lo[g * dim:(g + 1) * dim].T)
        out.append(G_hi[g * dim:(g + 1) * dim].T)
    return out


def _fold_next_mlp(dim, dhalf, w1, b1):
    W1lo = jnp.zeros((32, dim), jnp.float32).at[:dhalf].set(w1[:dhalf])
    b1lo = jnp.zeros((32,), jnp.float32).at[:dhalf].set(b1[:dhalf])
    b1lo = b1lo.at[dhalf].set(1.0)
    W1hi = jnp.zeros((32, dim), jnp.float32).at[:dhalf].set(w1[dhalf:])
    b1hi = jnp.zeros((32,), jnp.float32).at[:dhalf].set(b1[dhalf:])
    return W1lo.T, W1hi.T, b1lo.reshape(1, 32), b1hi.reshape(1, 32)


def _gru_rest(dim, whh, bih, bhh):
    HrT = whh[0:dim].T
    HzT = whh[dim:2 * dim].T
    HnT = whh[2 * dim:].T
    br = (bih[0:dim] + bhh[0:dim]).reshape(1, dim)
    bz = (bih[dim:2 * dim] + bhh[dim:2 * dim]).reshape(1, dim)
    bni = bih[2 * dim:].reshape(1, dim)
    bnh = bhh[2 * dim:].reshape(1, dim)
    return HrT, HzT, HnT, br, bz, bni, bnh


def _build_comb(n, e_pad, src, dst, gar):
    e = src.shape[0]
    pad = e_pad - e
    ar = jnp.arange(pad, dtype=jnp.int32)
    s = jnp.concatenate([src, ar % 64]).reshape(-1, BATCH)
    d = jnp.concatenate([dst, n + (ar % gar)]).reshape(-1, BATCH)
    c0 = jnp.stack([s, d], 1)
    c1 = jnp.stack([s + n, d], 1)
    return jnp.stack([c0, c1], 0)



def kernel(features, edge_index, W_init, b_init,
           fm_w1, fm_b1, fm_w2, fm_b2,
           bm_w1, bm_b1, bm_w2, bm_b2,
           fg_wih, fg_whh, fg_bih, fg_bhh,
           bg_wih, bg_whh, bg_bih, bg_bhh,
           cl_w1, cl_b1, cl_w2, cl_b2, n_rounds=20):
    n, dfeat = features.shape
    e = edge_index.shape[1]
    dim = W_init.shape[0]
    dhalf = fm_w1.shape[0] // 2
    dcls = cl_w1.shape[0]

    group = NS * CHUNK * BATCH
    e_pad = ((e + group - 1) // group) * group
    nbat = e_pad // BATCH

    gar = ((n + NS * 8 - 1) // (NS * 8) + 1) * NS * 8 - n
    row = edge_index[0]
    col = edge_index[1]
    comb_f = _build_comb(n, e_pad, col, row, gar)
    comb_b = _build_comb(n, e_pad, row, col, gar)

    f_upd = (
        tuple(_fold_gru(dim, dhalf, fm_w2, fm_b2, fg_wih))
        + _gru_rest(dim, fg_whh, fg_bih, fg_bhh)
        + _fold_next_mlp(dim, dhalf, bm_w1, bm_b1)
    )
    b_upd = (
        tuple(_fold_gru(dim, dhalf, bm_w2, bm_b2, bg_wih))
        + _gru_rest(dim, bg_whh, bg_bih, bg_bhh)
        + _fold_next_mlp(dim, dhalf, fm_w1, fm_b1)
    )
    init_w = _fold_next_mlp(dim, dhalf, fm_w1, fm_b1)

    spmm = _make_spmm(n, nbat)
    init, upd = _make_tc(n, dim, dfeat)
    cls = _make_cls(n, dim, dcls)

    h, u3 = init(features, W_init.T, b_init.reshape(1, dim), *init_w)

    def round_body(_, carry):
        h, u3 = carry
        agg = spmm(u3.reshape(2 * n, 32), comb_f)
        h, u3 = upd(agg, h, *f_upd)
        agg = spmm(u3.reshape(2 * n, 32), comb_b)
        h, u3 = upd(agg, h, *b_upd)
        return h, u3

    h, u3 = lax.fori_loop(0, n_rounds, round_body, (h, u3))

    return cls(h, cl_w1.T, cl_b1.reshape(1, dcls), cl_w2.T,
               cl_b2.reshape(1, 1))

# --- scband reference (transcript-rebuilt; emitter-appended) ---
"""Pipeline reference for scband-circuit-sat-15032385536527 (READ-ONLY COPY).

The authoritative reference and input builder live on the scoring server;
editing this copy changes nothing except your own understanding.
"""

import jax, jax.numpy as jnp
import numpy as np

N = 50000
E = 800000
DIM = 100
DIM_AGG = 50
DIM_CLASS = 30
N_ROUNDS = 20


def _lin(k, out_d, in_d):
    k1, k2 = jax.random.split(k)
    bound = 1.0 / np.sqrt(in_d)
    w = jax.random.uniform(k1, (out_d, in_d), minval=-bound, maxval=bound, dtype=jnp.float32)
    b = jax.random.uniform(k2, (out_d,), minval=-bound, maxval=bound, dtype=jnp.float32)
    return w, b


def _gru_params(k):
    k1, k2, k3, k4 = jax.random.split(k, 4)
    bound = 1.0 / np.sqrt(DIM)
    wih = jax.random.uniform(k1, (3 * DIM, DIM), minval=-bound, maxval=bound, dtype=jnp.float32)
    whh = jax.random.uniform(k2, (3 * DIM, DIM), minval=-bound, maxval=bound, dtype=jnp.float32)
    bih = jax.random.uniform(k3, (3 * DIM,), minval=-bound, maxval=bound, dtype=jnp.float32)
    bhh = jax.random.uniform(k4, (3 * DIM,), minval=-bound, maxval=bound, dtype=jnp.float32)
    return wih, whh, bih, bhh


def setup_inputs(seed: int = 0) -> dict:
    key = jax.random.key(seed)
    ks = jax.random.split(key, 12)
    features = jax.random.normal(ks[0], (N, 4), dtype=jnp.float32)
    edge_index = jax.random.randint(ks[1], (2, E), 0, N, dtype=jnp.int32)
    W_init, b_init = _lin(ks[2], DIM, 4)
    fm_w1, fm_b1 = _lin(ks[3], DIM_AGG, DIM)
    fm_w2, fm_b2 = _lin(ks[4], DIM, DIM_AGG)
    bm_w1, bm_b1 = _lin(ks[5], DIM_AGG, DIM)
    bm_w2, bm_b2 = _lin(ks[6], DIM, DIM_AGG)
    fg_wih, fg_whh, fg_bih, fg_bhh = _gru_params(ks[7])
    bg_wih, bg_whh, bg_bih, bg_bhh = _gru_params(ks[8])
    cl_w1, cl_b1 = _lin(ks[9], DIM_CLASS, DIM)
    cl_w2, cl_b2 = _lin(ks[10], 1, DIM_CLASS)
    return dict(features=features, edge_index=edge_index, W_init=W_init, b_init=b_init,
                fm_w1=fm_w1, fm_b1=fm_b1, fm_w2=fm_w2, fm_b2=fm_b2,
                bm_w1=bm_w1, bm_b1=bm_b1, bm_w2=bm_w2, bm_b2=bm_b2,
                fg_wih=fg_wih, fg_whh=fg_whh, fg_bih=fg_bih, fg_bhh=fg_bhh,
                bg_wih=bg_wih, bg_whh=bg_whh, bg_bih=bg_bih, bg_bhh=bg_bhh,
                cl_w1=cl_w1, cl_b1=cl_b1, cl_w2=cl_w2, cl_b2=cl_b2)


def _mlp(x, w1, b1, w2, b2):
    return jnp.maximum(x @ w1.T + b1, 0.0) @ w2.T + b2


def _gru(x, h, wih, whh, bih, bhh):
    gi = x @ wih.T + bih
    gh = h @ whh.T + bhh
    i_r, i_z, i_n = jnp.split(gi, 3, axis=-1)
    h_r, h_z, h_n = jnp.split(gh, 3, axis=-1)
    r = jax.nn.sigmoid(i_r + h_r)
    z = jax.nn.sigmoid(i_z + h_z)
    n = jnp.tanh(i_n + r * h_n)
    return (1.0 - z) * n + z * h


def reference(features, edge_index, W_init, b_init,
              fm_w1, fm_b1, fm_w2, fm_b2,
              bm_w1, bm_b1, bm_w2, bm_b2,
              fg_wih, fg_whh, fg_bih, fg_bhh,
              bg_wih, bg_whh, bg_bih, bg_bhh,
              cl_w1, cl_b1, cl_w2, cl_b2):
    n = features.shape[0]
    row = edge_index[0]
    col = edge_index[1]
    h = features @ W_init.T + b_init
    for _ in range(N_ROUNDS):
        f_pre = _mlp(h, fm_w1, fm_b1, fm_w2, fm_b2)
        f_msg = jax.ops.segment_sum(f_pre[col], row, num_segments=n)
        h = _gru(f_msg, h, fg_wih, fg_whh, fg_bih, fg_bhh)
        b_pre = _mlp(h, bm_w1, bm_b1, bm_w2, bm_b2)
        b_msg = jax.ops.segment_sum(b_pre[row], col, num_segments=n)
        h = _gru(b_msg, h, bg_wih, bg_whh, bg_bih, bg_bhh)
    return _mlp(h, cl_w1, cl_b1, cl_w2, cl_b2)

if __name__ == "__main__":
    import jax
    _d = setup_inputs()
    print(jax.jit(kernel)(*tuple(_d.values())))

</pallas_src>

<mosaic_0001>
#map = affine_map<(d0, d1) -> (0, 0)>
#map1 = affine_map<(d0, d1) -> (0, 0, 0, 0)>
#map2 = affine_map<(d0, d1) -> (0, 0, 0)>
module attributes {stable_mosaic.version = 14 : i64} {
  func.func @body(%arg0: i32, %arg1: i32, %arg2: memref<100000x32xf32, #tpu.memory_space<hbm>>, %arg3: memref<2x6272x2x128xi32, #tpu.memory_space<hbm>>, %arg4: memref<2x50000x32xf32, #tpu.memory_space<hbm>>, %arg5: memref<50176x32xf32, #tpu.memory_space<vmem_shared>>, %arg6: memref<2x2x2x128xi32, #tpu.memory_space<vmem>>, %arg7: memref<2x2x128x32xf32, #tpu.memory_space<vmem>>, %arg8: memref<!tpu.dma_semaphore, #tpu.memory_space<semaphore_mem>>, %arg9: memref<!tpu.dma_semaphore, #tpu.memory_space<semaphore_mem>>) attributes {dimension_semantics = [#tpu.dimension_semantics<core_parallel>, #tpu.dimension_semantics<subcore_parallel>], iteration_bounds = array<i64: 2, 16>, scalar_prefetch = 0 : i64, scratch_operands = 5 : i64, tpu.core_type = #tpu.core_type<sc_vector_subcore>, window_params = [{transform_indices = #map}, {transform_indices = #map1}, {transform_indices = #map2}]} {
    %scan3A = arith.constant 0 : i32
    %scan3A_0 = arith.constant 0 : i32
    %scan3A_1 = arith.constant 128 : i32
    %scan3A_2 = arith.addi %scan3A_0, %scan3A_1 : i32
    %scan3A_3 = arith.constant 1 : i32
    scf.for %scan3A_62 = %scan3A_0 to %scan3A_2 step %scan3A_3  : i32 {
      %broadcast_in_dim3A = arith.constant 0.000000e+00 : f32
      %broadcast_in_dim3A_63 = vector.broadcast %broadcast_in_dim3A : f32 to vector<16xf32>
      %swap3A = arith.constant 0 : i32
      %swap3A_64 = arith.constant 0 : i32
      %swap3A_65 = arith.index_cast %swap3A : i32 to index
      %swap3A_66 = arith.index_cast %swap3A_64 : i32 to index
      %swap3A_67 = arith.index_cast %scan3A_62 : i32 to index
      %swap3A_68 = arith.constant 0 : index
      %swap3A_69 = tpu.vector_load %arg7[%swap3A_65, %swap3A_66, %swap3A_67, %swap3A_68] {strides = array<i32>} : memref<2x2x128x32xf32, #tpu.memory_space<vmem>>, vector<1x1x1x16xf32>,
      %swap3A_70 = vector.shape_cast %swap3A_69 : vector<1x1x1x16xf32> to vector<16xf32>
      %swap3A_71 = vector.shape_cast %broadcast_in_dim3A_63 : vector<16xf32> to vector<1x1x1x16xf32>
      tpu.vector_store %arg7[%swap3A_65, %swap3A_66, %swap3A_67, %swap3A_68], %swap3A_71 {strides = array<i32>} : memref<2x2x128x32xf32, #tpu.memory_space<vmem>>, vector<1x1x1x16xf32>,
      %broadcast_in_dim3A_72 = arith.constant 0.000000e+00 : f32
      %broadcast_in_dim3A_73 = vector.broadcast %broadcast_in_dim3A_72 : f32 to vector<16xf32>
      %swap3A_74 = arith.constant 0 : i32
      %swap3A_75 = arith.constant 0 : i32
      %swap3A_76 = arith.index_cast %swap3A_74 : i32 to index
      %swap3A_77 = arith.index_cast %swap3A_75 : i32 to index
      %swap3A_78 = arith.index_cast %scan3A_62 : i32 to index
      %swap3A_79 = arith.constant 16 : index
      %swap3A_80 = tpu.vector_load %arg7[%swap3A_76, %swap3A_77, %swap3A_78, %swap3A_79] {strides = array<i32>} : memref<2x2x128x32xf32, #tpu.memory_space<vmem>>, vector<1x1x1x16xf32>,
      %swap3A_81 = vector.shape_cast %swap3A_80 : vector<1x1x1x16xf32> to vector<16xf32>
      %swap3A_82 = vector.shape_cast %broadcast_in_dim3A_73 : vector<16xf32> to vector<1x1x1x16xf32>
      tpu.vector_store %arg7[%swap3A_76, %swap3A_77, %swap3A_78, %swap3A_79], %swap3A_82 {strides = array<i32>} : memref<2x2x128x32xf32, #tpu.memory_space<vmem>>, vector<1x1x1x16xf32>,
    }
    %scan3A_4 = arith.constant 128 : i32
    %mul3A = arith.constant 3136 : i32
    %mul3A_5 = arith.muli %arg1, %mul3A : i32
    %multiple_of3A = tpu.assume_multiple %mul3A_5, 8 : i32
    %scan3A_6 = arith.constant 0 : i32
    %scan3A_7 = arith.constant 0 : i32
    %scan3A_8 = arith.constant 24 : i32
    %scan3A_9 = arith.addi %scan3A_7, %scan3A_8 : i32
    %scan3A_10 = arith.constant 1 : i32
    scf.for %scan3A_62 = %scan3A_7 to %scan3A_9 step %scan3A_10  : i32 {
      %mul3A_63 = arith.constant 128 : i32
      %mul3A_64 = arith.muli %scan3A_62, %mul3A_63 : i32
      %add3A_65 = arith.addi %multiple_of3A, %mul3A_64 : i32
      %multiple_of3A_66 = tpu.assume_multiple %add3A_65, 8 : i32
      %run_scoped3A_67 = arith.constant 0 : i32
      %run_scoped3A_68 = arith.constant 0 : i32
      "tpu.region"() ({
        %run_scoped3A_69 = tpu.sem_alloc : memref<!tpu.dma_semaphore, #tpu.memory_space<semaphore_mem>>
        %dma_start3A = arith.constant 0 : i32
        %dma_start3A_70 = arith.constant 0 : i32
        %dma_start3A_71 = tpu.memref_slice %arg7[%run_scoped3A_67, %run_scoped3A_68, %dma_start3A, %dma_start3A_70] : memref<2x2x128x32xf32, #tpu.memory_space<vmem>> -> memref<1x1x128x32xf32, #tpu.memory_space<vmem>>
        %dma_start3A_72 = tpu.memref_squeeze %dma_start3A_71 : memref<1x1x128x32xf32, #tpu.memory_space<vmem>> -> memref<128x32xf32, #tpu.memory_space<vmem>>
        %dma_start3A_73 = arith.constant 0 : i32
        %dma_start3A_74 = tpu.memref_slice %arg5[%multiple_of3A_66, %dma_start3A_73] : memref<50176x32xf32, #tpu.memory_space<vmem_shared>> -> memref<128x32xf32, #tpu.memory_space<vmem_shared>>
        %dma_start3A_75 = arith.constant 0 : i32
        %dma_start3A_76 = tpu.memref_slice %arg5[%multiple_of3A_66, %dma_start3A_75] : memref<50176x32xf32, #tpu.memory_space<vmem_shared>> -> memref<128x32xf32, #tpu.memory_space<vmem_shared>>
        %dma_start3A_77 = arith.constant 0 : i32
        %dma_start3A_78 = arith.constant 0 : i32
        %dma_start3A_79 = tpu.memref_slice %arg7[%run_scoped3A_67, %run_scoped3A_68, %dma_start3A_77, %dma_start3A_78] : memref<2x2x128x32xf32, #tpu.memory_space<vmem>> -> memref<1x1x128x32xf32, #tpu.memory_space<vmem>>
        %dma_start3A_80 = tpu.memref_squeeze %dma_start3A_79 : memref<1x1x128x32xf32, #tpu.memory_space<vmem>> -> memref<128x32xf32, #tpu.memory_space<vmem>>
        tpu.enqueue_dma source(%dma_start3A_80 : memref<128x32xf32, #tpu.memory_space<vmem>>) target(%dma_start3A_76 : memref<128x32xf32, #tpu.memory_space<vmem_shared>>) target_semaphore(%run_scoped3A_69 : memref<!tpu.dma_semaphore, #tpu.memory_space<semaphore_mem>>)
        %dma_wait3A_81 = arith.constant 0 : i32
        %dma_wait3A_82 = arith.constant 0 : i32
        %dma_wait3A_83 = tpu.memref_slice %arg7[%run_scoped3A_67, %run_scoped3A_68, %dma_wait3A_81, %dma_wait3A_82] : memref<2x2x128x32xf32, #tpu.memory_space<vmem>> -> memref<1x1x128x32xf32, #tpu.memory_space<vmem>>
        %dma_wait3A_84 = tpu.memref_squeeze %dma_wait3A_83 : memref<1x1x128x32xf32, #tpu.memory_space<vmem>> -> memref<128x32xf32, #tpu.memory_space<vmem>>
        %dma_wait3A_85 = arith.constant 0 : i32
        %dma_wait3A_86 = tpu.memref_slice %arg5[%multiple_of3A_66, %dma_wait3A_85] : memref<50176x32xf32, #tpu.memory_space<vmem_shared>> -> memref<128x32xf32, #tpu.memory_space<vmem_shared>>
        %dma_wait3A_87 = arith.constant 0 : i32
        %dma_wait3A_88 = tpu.memref_slice %arg5[%multiple_of3A_66, %dma_wait3A_87] : memref<50176x32xf32, #tpu.memory_space<vmem_shared>> -> memref<128x32xf32, #tpu.memory_space<vmem_shared>>
        %dma_wait3A_89 = arith.constant 0 : i32
        %dma_wait3A_90 = arith.constant 0 : i32
        %dma_wait3A_91 = tpu.memref_slice %arg7[%run_scoped3A_67, %run_scoped3A_68, %dma_wait3A_89, %dma_wait3A_90] : memref<2x2x128x32xf32, #tpu.memory_space<vmem>> -> memref<1x1x128x32xf32, #tpu.memory_space<vmem>>
        %dma_wait3A_92 = tpu.memref_squeeze %dma_wait3A_91 : memref<1x1x128x32xf32, #tpu.memory_space<vmem>> -> memref<128x32xf32, #tpu.memory_space<vmem>>
        tpu.wait_dma2 semaphore(%run_scoped3A_69 : memref<!tpu.dma_semaphore, #tpu.memory_space<semaphore_mem>>) src(%dma_wait3A_92 : memref<128x32xf32, #tpu.memory_space<vmem>>) dst(%dma_wait3A_88 : memref<128x32xf32, #tpu.memory_space<vmem_shared>>)
        tpu.yield
      }) : () -> ()
    }
    %scan3A_11 = arith.constant 24 : i32
    %add3A = arith.constant 3072 : i32
    %add3A_12 = arith.addi %multiple_of3A, %add3A : i32
    %multiple_of3A_13 = tpu.assume_multiple %add3A_12, 8 : i32
    %run_scoped3A = arith.constant 0 : i32
    %run_scoped3A_14 = arith.constant 0 : i32
    "tpu.region"() ({
      %run_scoped3A_62 = tpu.sem_alloc : memref<!tpu.dma_semaphore, #tpu.memory_space<semaphore_mem>>
      %dma_start3A = arith.constant 0 : i32
      %dma_start3A_63 = arith.constant 0 : i32
      %dma_start3A_64 = tpu.memref_slice %arg7[%run_scoped3A, %run_scoped3A_14, %dma_start3A, %dma_start3A_63] : memref<2x2x128x32xf32, #tpu.memory_space<vmem>> -> memref<1x1x64x32xf32, #tpu.memory_space<vmem>>
      %dma_start3A_65 = tpu.memref_squeeze %dma_start3A_64 : memref<1x1x64x32xf32, #tpu.memory_space<vmem>> -> memref<64x32xf32, #tpu.memory_space<vmem>>
      %dma_start3A_66 = arith.constant 0 : i32
      %dma_start3A_67 = tpu.memref_slice %arg5[%multiple_of3A_13, %dma_start3A_66] : memref<50176x32xf32, #tpu.memory_space<vmem_shared>> -> memref<64x32xf32, #tpu.memory_space<vmem_shared>>
      %dma_start3A_68 = arith.constant 0 : i32
      %dma_start3A_69 = tpu.memref_slice %arg5[%multiple_of3A_13, %dma_start3A_68] : memref<50176x32xf32, #tpu.memory_space<vmem_shared>> -> memref<64x32xf32, #tpu.memory_space<vmem_shared>>
      %dma_start3A_70 = arith.constant 0 : i32
      %dma_start3A_71 = arith.constant 0 : i32
      %dma_start3A_72 = tpu.memref_slice %arg7[%run_scoped3A, %run_scoped3A_14, %dma_start3A_70, %dma_start3A_71] : memref<2x2x128x32xf32, #tpu.memory_space<vmem>> -> memref<1x1x64x32xf32, #tpu.memory_space<vmem>>
      %dma_start3A_73 = tpu.memref_squeeze %dma_start3A_72 : memref<1x1x64x32xf32, #tpu.memory_space<vmem>> -> memref<64x32xf32, #tpu.memory_space<vmem>>
      tpu.enqueue_dma source(%dma_start3A_73 : memref<64x32xf32, #tpu.memory_space<vmem>>) target(%dma_start3A_69 : memref<64x32xf32, #tpu.memory_space<vmem_shared>>) target_semaphore(%run_scoped3A_62 : memref<!tpu.dma_semaphore, #tpu.memory_space<semaphore_mem>>)
      %dma_wait3A_74 = arith.constant 0 : i32
      %dma_wait3A_75 = arith.constant 0 : i32
      %dma_wait3A_76 = tpu.memref_slice %arg7[%run_scoped3A, %run_scoped3A_14, %dma_wait3A_74, %dma_wait3A_75] : memref<2x2x128x32xf32, #tpu.memory_space<vmem>> -> memref<1x1x64x32xf32, #tpu.memory_space<vmem>>
      %dma_wait3A_77 = tpu.memref_squeeze %dma_wait3A_76 : memref<1x1x64x32xf32, #tpu.memory_space<vmem>> -> memref<64x32xf32, #tpu.memory_space<vmem>>
      %dma_wait3A_78 = arith.constant 0 : i32
      %dma_wait3A_79 = tpu.memref_slice %arg5[%multiple_of3A_13, %dma_wait3A_78] : memref<50176x32xf32, #tpu.memory_space<vmem_shared>> -> memref<64x32xf32, #tpu.memory_space<vmem_shared>>
      %dma_wait3A_80 = arith.constant 0 : i32
      %dma_wait3A_81 = tpu.memref_slice %arg5[%multiple_of3A_13, %dma_wait3A_80] : memref<50176x32xf32, #tpu.memory_space<vmem_shared>> -> memref<64x32xf32, #tpu.memory_space<vmem_shared>>
      %dma_wait3A_82 = arith.constant 0 : i32
      %dma_wait3A_83 = arith.constant 0 : i32
      %dma_wait3A_84 = tpu.memref_slice %arg7[%run_scoped3A, %run_scoped3A_14, %dma_wait3A_82, %dma_wait3A_83] : memref<2x2x128x32xf32, #tpu.memory_space<vmem>> -> memref<1x1x64x32xf32, #tpu.memory_space<vmem>>
      %dma_wait3A_85 = tpu.memref_squeeze %dma_wait3A_84 : memref<1x1x64x32xf32, #tpu.memory_space<vmem>> -> memref<64x32xf32, #tpu.memory_space<vmem>>
      tpu.wait_dma2 semaphore(%run_scoped3A_62 : memref<!tpu.dma_semaphore, #tpu.memory_space<semaphore_mem>>) src(%dma_wait3A_85 : memref<64x32xf32, #tpu.memory_space<vmem>>) dst(%dma_wait3A_81 : memref<64x32xf32, #tpu.memory_space<vmem_shared>>)
      tpu.yield
    }) : () -> ()
    %barrier3A = arith.constant 0 : index
    tpu.barrier barrier_id(%barrier3A)
    %mul3A_15 = arith.constant 392 : i32
    %mul3A_16 = arith.muli %arg1, %mul3A_15 : i32
    %scan3A_17 = arith.constant 0 : i32
    %scan3A_18 = arith.constant 0 : i32
    %scan3A_19 = arith.constant 196 : i32
    %scan3A_20 = arith.addi %scan3A_18, %scan3A_19 : i32
    %scan3A_21 = arith.constant 1 : i32
    scf.for %scan3A_62 = %scan3A_18 to %scan3A_20 step %scan3A_21  : i32 {
      %rem3A = arith.constant 2 : i32
      %rem3A_63 = arith.remsi %scan3A_62, %rem3A : i32
      %sub3A = arith.constant 1 : i32
      %sub3A_64 = arith.subi %sub3A, %rem3A_63 : i32
      %gt3A = arith.constant 0 : i32
      %gt3A_65 = arith.cmpi sgt, %scan3A_62, %gt3A : i32
      %convert_element_type3A_66 = arith.extui %gt3A_65 : i1 to i32
      %cond3A_67 = arith.constant 0 : i32
      %cond3A_68 = arith.cmpi ne, %convert_element_type3A_66, %cond3A_67 : i32
      scf.if %cond3A_68 {
        %dma_wait3A_149 = arith.constant 0 : i32
        %dma_wait3A_150 = arith.constant 0 : i32
        %dma_wait3A_151 = arith.constant 1 : i32
        %dma_wait3A_152 = arith.constant 0 : i32
        %dma_wait3A_153 = arith.constant 0 : i32
        %dma_wait3A_154 = tpu.memref_slice %arg7[%sub3A_64, %dma_wait3A_149, %dma_wait3A_152, %dma_wait3A_153] : memref<2x2x128x32xf32, #tpu.memory_space<vmem>> -> memref<1x1x128x32xf32, #tpu.memory_space<vmem>>
        %dma_wait3A_155 = tpu.memref_squeeze %dma_wait3A_154 : memref<1x1x128x32xf32, #tpu.memory_space<vmem>> -> memref<128x32xf32, #tpu.memory_space<vmem>>
        %dma_wait3A_156 = arith.constant 0 : i32
        %dma_wait3A_157 = tpu.memref_slice %arg6[%sub3A_64, %dma_wait3A_150, %dma_wait3A_151, %dma_wait3A_156] : memref<2x2x2x128xi32, #tpu.memory_space<vmem>> -> memref<1x1x1x128xi32, #tpu.memory_space<vmem>>
        %dma_wait3A_158 = tpu.memref_squeeze %dma_wait3A_157 : memref<1x1x1x128xi32, #tpu.memory_space<vmem>> -> memref<128xi32, #tpu.memory_space<vmem>>
        %dma_wait3A_159 = arith.constant 0 : i32
        %dma_wait3A_160 = arith.constant 0 : i32
        %dma_wait3A_161 = tpu.memref_slice %arg5[%dma_wait3A_159, %dma_wait3A_160] : memref<50176x32xf32, #tpu.memory_space<vmem_shared>> -> memref<50176x32xf32, #tpu.memory_space<vmem_shared>>
        tpu.wait_indirect_dma semaphore(%arg9 : memref<!tpu.dma_semaphore, #tpu.memory_space<semaphore_mem>>) src(%dma_wait3A_155 : memref<128x32xf32, #tpu.memory_space<vmem>>) dst(%dma_wait3A_161 : memref<50176x32xf32, #tpu.memory_space<vmem_shared>>)
        %dma_wait3A_162 = arith.constant 1 : i32
        %dma_wait3A_163 = arith.constant 1 : i32
        %dma_wait3A_164 = arith.constant 1 : i32
        %dma_wait3A_165 = arith.constant 0 : i32
        %dma_wait3A_166 = arith.constant 0 : i32
        %dma_wait3A_167 = tpu.memref_slice %arg7[%sub3A_64, %dma_wait3A_162, %dma_wait3A_165, %dma_wait3A_166] : memref<2x2x128x32xf32, #tpu.memory_space<vmem>> -> memref<1x1x128x32xf32, #tpu.memory_space<vmem>>
        %dma_wait3A_168 = tpu.memref_squeeze %dma_wait3A_167 : memref<1x1x128x32xf32, #tpu.memory_space<vmem>> -> memref<128x32xf32, #tpu.memory_space<vmem>>
        %dma_wait3A_169 = arith.constant 0 : i32
        %dma_wait3A_170 = tpu.memref_slice %arg6[%sub3A_64, %dma_wait3A_163, %dma_wait3A_164, %dma_wait3A_169] : memref<2x2x2x128xi32, #tpu.memory_space<vmem>> -> memref<1x1x1x128xi32, #tpu.memory_space<vmem>>
        %dma_wait3A_171 = tpu.memref_squeeze %dma_wait3A_170 : memref<1x1x1x128xi32, #tpu.memory_space<vmem>> -> memref<128xi32, #tpu.memory_space<vmem>>
        %dma_wait3A_172 = arith.constant 0 : i32
        %dma_wait3A_173 = arith.constant 0 : i32
        %dma_wait3A_174 = tpu.memref_slice %arg5[%dma_wait3A_172, %dma_wait3A_173] : memref<50176x32xf32, #tpu.memory_space<vmem_shared>> -> memref<50176x32xf32, #tpu.memory_space<vmem_shared>>
        tpu.wait_indirect_dma semaphore(%arg9 : memref<!tpu.dma_semaphore, #tpu.memory_space<semaphore_mem>>) src(%dma_wait3A_168 : memref<128x32xf32, #tpu.memory_space<vmem>>) dst(%dma_wait3A_174 : memref<50176x32xf32, #tpu.memory_space<vmem_shared>>)
      } else {
      }
      %mul3A_69 = arith.constant 2 : i32
      %mul3A_70 = arith.muli %scan3A_62, %mul3A_69 : i32
      %add3A_71 = arith.addi %mul3A_16, %mul3A_70 : i32
      "tpu.region"() ({
        %run_scoped3A_149 = tpu.sem_alloc : memref<!tpu.dma_semaphore, #tpu.memory_space<semaphore_mem>>
        %dma_start3A_150 = arith.constant 0 : i32
        %dma_start3A_151 = arith.constant 0 : i32
        %dma_start3A_152 = arith.constant 0 : i32
        %dma_start3A_153 = tpu.memref_slice %arg6[%rem3A_63, %dma_start3A_150, %dma_start3A_151, %dma_start3A_152] : memref<2x2x2x128xi32, #tpu.memory_space<vmem>> -> memref<1x2x2x128xi32, #tpu.memory_space<vmem>>
        %dma_start3A_154 = tpu.memref_squeeze %dma_start3A_153 : memref<1x2x2x128xi32, #tpu.memory_space<vmem>> -> memref<2x2x128xi32, #tpu.memory_space<vmem>>
        %dma_start3A_155 = arith.constant 0 : i32
        %dma_start3A_156 = arith.constant 0 : i32
        %dma_start3A_157 = tpu.memref_slice %arg3[%arg0, %add3A_71, %dma_start3A_155, %dma_start3A_156] : memref<2x6272x2x128xi32, #tpu.memory_space<hbm>> -> memref<1x2x2x128xi32, #tpu.memory_space<hbm>>
        %dma_start3A_158 = tpu.memref_squeeze %dma_start3A_157 : memref<1x2x2x128xi32, #tpu.memory_space<hbm>> -> memref<2x2x128xi32, #tpu.memory_space<hbm>>
        %dma_start3A_159 = arith.constant 0 : i32
        %dma_start3A_160 = arith.constant 0 : i32
        %dma_start3A_161 = arith.constant 0 : i32
        %dma_start3A_162 = tpu.memref_slice %arg6[%rem3A_63, %dma_start3A_159, %dma_start3A_160, %dma_start3A_161] : memref<2x2x2x128xi32, #tpu.memory_space<vmem>> -> memref<1x2x2x128xi32, #tpu.memory_space<vmem>>
        %dma_start3A_163 = tpu.memref_squeeze %dma_start3A_162 : memref<1x2x2x128xi32, #tpu.memory_space<vmem>> -> memref<2x2x128xi32, #tpu.memory_space<vmem>>
        %dma_start3A_164 = arith.constant 0 : i32
        %dma_start3A_165 = arith.constant 0 : i32
        %dma_start3A_166 = tpu.memref_slice %arg3[%arg0, %add3A_71, %dma_start3A_164, %dma_start3A_165] : memref<2x6272x2x128xi32, #tpu.memory_space<hbm>> -> memref<1x2x2x128xi32, #tpu.memory_space<hbm>>
        %dma_start3A_167 = tpu.memref_squeeze %dma_start3A_166 : memref<1x2x2x128xi32, #tpu.memory_space<hbm>> -> memref<2x2x128xi32, #tpu.memory_space<hbm>>
        tpu.enqueue_dma source(%dma_start3A_167 : memref<2x2x128xi32, #tpu.memory_space<hbm>>) target(%dma_start3A_163 : memref<2x2x128xi32, #tpu.memory_space<vmem>>) target_semaphore(%run_scoped3A_149 : memref<!tpu.dma_semaphore, #tpu.memory_space<semaphore_mem>>)
        %dma_wait3A_168 = arith.constant 0 : i32
        %dma_wait3A_169 = arith.constant 0 : i32
        %dma_wait3A_170 = arith.constant 0 : i32
        %dma_wait3A_171 = tpu.memref_slice %arg6[%rem3A_63, %dma_wait3A_168, %dma_wait3A_169, %dma_wait3A_170] : memref<2x2x2x128xi32, #tpu.memory_space<vmem>> -> memref<1x2x2x128xi32, #tpu.memory_space<vmem>>
        %dma_wait3A_172 = tpu.memref_squeeze %dma_wait3A_171 : memref<1x2x2x128xi32, #tpu.memory_space<vmem>> -> memref<2x2x128xi32, #tpu.memory_space<vmem>>
        %dma_wait3A_173 = arith.constant 0 : i32
        %dma_wait3A_174 = arith.constant 0 : i32
        %dma_wait3A_175 = tpu.memref_slice %arg3[%arg0, %add3A_71, %dma_wait3A_173, %dma_wait3A_174] : memref<2x6272x2x128xi32, #tpu.memory_space<hbm>> -> memref<1x2x2x128xi32, #tpu.memory_space<hbm>>
        %dma_wait3A_176 = tpu.memref_squeeze %dma_wait3A_175 : memref<1x2x2x128xi32, #tpu.memory_space<hbm>> -> memref<2x2x128xi32, #tpu.memory_space<hbm>>
        %dma_wait3A_177 = arith.constant 0 : i32
        %dma_wait3A_178 = arith.constant 0 : i32
        %dma_wait3A_179 = arith.constant 0 : i32
        %dma_wait3A_180 = tpu.memref_slice %arg6[%rem3A_63, %dma_wait3A_177, %dma_wait3A_178, %dma_wait3A_179] : memref<2x2x2x128xi32, #tpu.memory_space<vmem>> -> memref<1x2x2x128xi32, #tpu.memory_space<vmem>>
        %dma_wait3A_181 = tpu.memref_squeeze %dma_wait3A_180 : memref<1x2x2x128xi32, #tpu.memory_space<vmem>> -> memref<2x2x128xi32, #tpu.memory_space<vmem>>
        %dma_wait3A_182 = arith.constant 0 : i32
        %dma_wait3A_183 = arith.constant 0 : i32
        %dma_wait3A_184 = tpu.memref_slice %arg3[%arg0, %add3A_71, %dma_wait3A_182, %dma_wait3A_183] : memref<2x6272x2x128xi32, #tpu.memory_space<hbm>> -> memref<1x2x2x128xi32, #tpu.memory_space<hbm>>
        %dma_wait3A_185 = tpu.memref_squeeze %dma_wait3A_184 : memref<1x2x2x128xi32, #tpu.memory_space<hbm>> -> memref<2x2x128xi32, #tpu.memory_space<hbm>>
        tpu.wait_dma2 semaphore(%run_scoped3A_149 : memref<!tpu.dma_semaphore, #tpu.memory_space<semaphore_mem>>) src(%dma_wait3A_185 : memref<2x2x128xi32, #tpu.memory_space<hbm>>) dst(%dma_wait3A_181 : memref<2x2x128xi32, #tpu.memory_space<vmem>>)
        tpu.yield
      }) : () -> ()
      %dma_start3A = arith.constant 0 : i32
      %dma_start3A_72 = arith.constant 0 : i32
      %dma_start3A_73 = arith.constant 0 : i32
      %dma_start3A_74 = arith.constant 0 : i32
      %dma_start3A_75 = arith.constant 0 : i32
      %dma_start3A_76 = tpu.memref_slice %arg7[%rem3A_63, %dma_start3A_73, %dma_start3A_74, %dma_start3A_75] : memref<2x2x128x32xf32, #tpu.memory_space<vmem>> -> memref<1x1x128x32xf32, #tpu.memory_space<vmem>>
      %dma_start3A_77 = tpu.memref_squeeze %dma_start3A_76 : memref<1x1x128x32xf32, #tpu.memory_space<vmem>> -> memref<128x32xf32, #tpu.memory_space<vmem>>
      %dma_start3A_78 = arith.constant 0 : i32
      %dma_start3A_79 = tpu.memref_slice %arg6[%rem3A_63, %dma_start3A, %dma_start3A_72, %dma_start3A_78] : memref<2x2x2x128xi32, #tpu.memory_space<vmem>> -> memref<1x1x1x128xi32, #tpu.memory_space<vmem>>
      %dma_start3A_80 = tpu.memref_squeeze %dma_start3A_79 : memref<1x1x1x128xi32, #tpu.memory_space<vmem>> -> memref<128xi32, #tpu.memory_space<vmem>>
      %dma_start3A_81 = arith.constant 0 : i32
      %dma_start3A_82 = arith.constant 0 : i32
      %dma_start3A_83 = tpu.memref_slice %arg2[%dma_start3A_81, %dma_start3A_82] : memref<100000x32xf32, #tpu.memory_space<hbm>> -> memref<100000x32xf32, #tpu.memory_space<hbm>>
      tpu.enqueue_indirect_dma source(%dma_start3A_83 : memref<100000x32xf32, #tpu.memory_space<hbm>>) target(%dma_start3A_77 : memref<128x32xf32, #tpu.memory_space<vmem>>) offsets(%dma_start3A_80 : memref<128xi32, #tpu.memory_space<vmem>>) semaphore(%arg8 : memref<!tpu.dma_semaphore, #tpu.memory_space<semaphore_mem>>)
      %dma_start3A_84 = arith.constant 1 : i32
      %dma_start3A_85 = arith.constant 0 : i32
      %dma_start3A_86 = arith.constant 1 : i32
      %dma_start3A_87 = arith.constant 0 : i32
      %dma_start3A_88 = arith.constant 0 : i32
      %dma_start3A_89 = tpu.memref_slice %arg7[%rem3A_63, %dma_start3A_86, %dma_start3A_87, %dma_start3A_88] : memref<2x2x128x32xf32, #tpu.memory_space<vmem>> -> memref<1x1x128x32xf32, #tpu.memory_space<vmem>>
      %dma_start3A_90 = tpu.memref_squeeze %dma_start3A_89 : memref<1x1x128x32xf32, #tpu.memory_space<vmem>> -> memref<128x32xf32, #tpu.memory_space<vmem>>
      %dma_start3A_91 = arith.constant 0 : i32
      %dma_start3A_92 = tpu.memref_slice %arg6[%rem3A_63, %dma_start3A_84, %dma_start3A_85, %dma_start3A_91] : memref<2x2x2x128xi32, #tpu.memory_space<vmem>> -> memref<1x1x1x128xi32, #tpu.memory_space<vmem>>
      %dma_start3A_93 = tpu.memref_squeeze %dma_start3A_92 : memref<1x1x1x128xi32, #tpu.memory_space<vmem>> -> memref<128xi32, #tpu.memory_space<vmem>>
      %dma_start3A_94 = arith.constant 0 : i32
      %dma_start3A_95 = arith.constant 0 : i32
      %dma_start3A_96 = tpu.memref_slice %arg2[%dma_start3A_94, %dma_start3A_95] : memref<100000x32xf32, #tpu.memory_space<hbm>> -> memref<100000x32xf32, #tpu.memory_space<hbm>>
      tpu.enqueue_indirect_dma source(%dma_start3A_96 : memref<100000x32xf32, #tpu.memory_space<hbm>>) target(%dma_start3A_90 : memref<128x32xf32, #tpu.memory_space<vmem>>) offsets(%dma_start3A_93 : memref<128xi32, #tpu.memory_space<vmem>>) semaphore(%arg8 : memref<!tpu.dma_semaphore, #tpu.memory_space<semaphore_mem>>)
      %dma_wait3A_97 = arith.constant 0 : i32
      %dma_wait3A_98 = arith.constant 0 : i32
      %dma_wait3A_99 = arith.constant 0 : i32
      %dma_wait3A_100 = arith.constant 0 : i32
      %dma_wait3A_101 = arith.constant 0 : i32
      %dma_wait3A_102 = tpu.memref_slice %arg7[%rem3A_63, %dma_wait3A_99, %dma_wait3A_100, %dma_wait3A_101] : memref<2x2x128x32xf32, #tpu.memory_space<vmem>> -> memref<1x1x128x32xf32, #tpu.memory_space<vmem>>
      %dma_wait3A_103 = tpu.memref_squeeze %dma_wait3A_102 : memref<1x1x128x32xf32, #tpu.memory_space<vmem>> -> memref<128x32xf32, #tpu.memory_space<vmem>>
      %dma_wait3A_104 = arith.constant 0 : i32
      %dma_wait3A_105 = tpu.memref_slice %arg6[%rem3A_63, %dma_wait3A_97, %dma_wait3A_98, %dma_wait3A_104] : memref<2x2x2x128xi32, #tpu.memory_space<vmem>> -> memref<1x1x1x128xi32, #tpu.memory_space<vmem>>
      %dma_wait3A_106 = tpu.memref_squeeze %dma_wait3A_105 : memref<1x1x1x128xi32, #tpu.memory_space<vmem>> -> memref<128xi32, #tpu.memory_space<vmem>>
      %dma_wait3A_107 = arith.constant 0 : i32
      %dma_wait3A_108 = arith.constant 0 : i32
      %dma_wait3A_109 = tpu.memref_slice %arg2[%dma_wait3A_107, %dma_wait3A_108] : memref<100000x32xf32, #tpu.memory_space<hbm>> -> memref<100000x32xf32, #tpu.memory_space<hbm>>
      tpu.wait_indirect_dma semaphore(%arg8 : memref<!tpu.dma_semaphore, #tpu.memory_space<semaphore_mem>>) src(%dma_wait3A_109 : memref<100000x32xf32, #tpu.memory_space<hbm>>) dst(%dma_wait3A_103 : memref<128x32xf32, #tpu.memory_space<vmem>>)
      %dma_wait3A_110 = arith.constant 1 : i32
      %dma_wait3A_111 = arith.constant 0 : i32
      %dma_wait3A_112 = arith.constant 1 : i32
      %dma_wait3A_113 = arith.constant 0 : i32
      %dma_wait3A_114 = arith.constant 0 : i32
      %dma_wait3A_115 = tpu.memref_slice %arg7[%rem3A_63, %dma_wait3A_112, %dma_wait3A_113, %dma_wait3A_114] : memref<2x2x128x32xf32, #tpu.memory_space<vmem>> -> memref<1x1x128x32xf32, #tpu.memory_space<vmem>>
      %dma_wait3A_116 = tpu.memref_squeeze %dma_wait3A_115 : memref<1x1x128x32xf32, #tpu.memory_space<vmem>> -> memref<128x32xf32, #tpu.memory_space<vmem>>
      %dma_wait3A_117 = arith.constant 0 : i32
      %dma_wait3A_118 = tpu.memref_slice %arg6[%rem3A_63, %dma_wait3A_110, %dma_wait3A_111, %dma_wait3A_117] : memref<2x2x2x128xi32, #tpu.memory_space<vmem>> -> memref<1x1x1x128xi32, #tpu.memory_space<vmem>>
      %dma_wait3A_119 = tpu.memref_squeeze %dma_wait3A_118 : memref<1x1x1x128xi32, #tpu.memory_space<vmem>> -> memref<128xi32, #tpu.memory_space<vmem>>
      %dma_wait3A_120 = arith.constant 0 : i32
      %dma_wait3A_121 = arith.constant 0 : i32
      %dma_wait3A_122 = tpu.memref_slice %arg2[%dma_wait3A_120, %dma_wait3A_121] : memref<100000x32xf32, #tpu.memory_space<hbm>> -> memref<100000x32xf32, #tpu.memory_space<hbm>>
      tpu.wait_indirect_dma semaphore(%arg8 : memref<!tpu.dma_semaphore, #tpu.memory_space<semaphore_mem>>) src(%dma_wait3A_122 : memref<100000x32xf32, #tpu.memory_space<hbm>>) dst(%dma_wait3A_116 : memref<128x32xf32, #tpu.memory_space<vmem>>)
      %dma_start3A_123 = arith.constant 0 : i32
      %dma_start3A_124 = arith.constant 0 : i32
      %dma_start3A_125 = arith.constant 1 : i32
      %dma_start3A_126 = arith.constant 0 : i32
      %dma_start3A_127 = arith.constant 0 : i32
      %dma_start3A_128 = tpu.memref_slice %arg7[%rem3A_63, %dma_start3A_123, %dma_start3A_126, %dma_start3A_127] : memref<2x2x128x32xf32, #tpu.memory_space<vmem>> -> memref<1x1x128x32xf32, #tpu.memory_space<vmem>>
      %dma_start3A_129 = tpu.memref_squeeze %dma_start3A_128 : memref<1x1x128x32xf32, #tpu.memory_space<vmem>> -> memref<128x32xf32, #tpu.memory_space<vmem>>
      %dma_start3A_130 = arith.constant 0 : i32
      %dma_start3A_131 = tpu.memref_slice %arg6[%rem3A_63, %dma_start3A_124, %dma_start3A_125, %dma_start3A_130] : memref<2x2x2x128xi32, #tpu.memory_space<vmem>> -> memref<1x1x1x128xi32, #tpu.memory_space<vmem>>
      %dma_start3A_132 = tpu.memref_squeeze %dma_start3A_131 : memref<1x1x1x128xi32, #tpu.memory_space<vmem>> -> memref<128xi32, #tpu.memory_space<vmem>>
      %dma_start3A_133 = arith.constant 0 : i32
      %dma_start3A_134 = arith.constant 0 : i32
      %dma_start3A_135 = tpu.memref_slice %arg5[%dma_start3A_133, %dma_start3A_134] : memref<50176x32xf32, #tpu.memory_space<vmem_shared>> -> memref<50176x32xf32, #tpu.memory_space<vmem_shared>>
      tpu.enqueue_indirect_dma source(%dma_start3A_129 : memref<128x32xf32, #tpu.memory_space<vmem>>) target(%dma_start3A_135 : memref<50176x32xf32, #tpu.memory_space<vmem_shared>>) offsets(%dma_start3A_132 : memref<128xi32, #tpu.memory_space<vmem>>) semaphore(%arg9 : memref<!tpu.dma_semaphore, #tpu.memory_space<semaphore_mem>>) {add = true}
      %dma_start3A_136 = arith.constant 1 : i32
      %dma_start3A_137 = arith.constant 1 : i32
      %dma_start3A_138 = arith.constant 1 : i32
      %dma_start3A_139 = arith.constant 0 : i32
      %dma_start3A_140 = arith.constant 0 : i32
      %dma_start3A_141 = tpu.memref_slice %arg7[%rem3A_63, %dma_start3A_136, %dma_start3A_139, %dma_start3A_140] : memref<2x2x128x32xf32, #tpu.memory_space<vmem>> -> memref<1x1x128x32xf32, #tpu.memory_space<vmem>>
      %dma_start3A_142 = tpu.memref_squeeze %dma_start3A_141 : memref<1x1x128x32xf32, #tpu.memory_space<vmem>> -> memref<128x32xf32, #tpu.memory_space<vmem>>
      %dma_start3A_143 = arith.constant 0 : i32
      %dma_start3A_144 = tpu.memref_slice %arg6[%rem3A_63, %dma_start3A_137, %dma_start3A_138, %dma_start3A_143] : memref<2x2x2x128xi32, #tpu.memory_space<vmem>> -> memref<1x1x1x128xi32, #tpu.memory_space<vmem>>
      %dma_start3A_145 = tpu.memref_squeeze %dma_start3A_144 : memref<1x1x1x128xi32, #tpu.memory_space<vmem>> -> memref<128xi32, #tpu.memory_space<vmem>>
      %dma_start3A_146 = arith.constant 0 : i32
      %dma_start3A_147 = arith.constant 0 : i32
      %dma_start3A_148 = tpu.memref_slice %arg5[%dma_start3A_146, %dma_start3A_147] : memref<50176x32xf32, #tpu.memory_space<vmem_shared>> -> memref<50176x32xf32, #tpu.memory_space<vmem_shared>>
      tpu.enqueue_indirect_dma source(%dma_start3A_142 : memref<128x32xf32, #tpu.memory_space<vmem>>) target(%dma_start3A_148 : memref<50176x32xf32, #tpu.memory_space<vmem_shared>>) offsets(%dma_start3A_145 : memref<128xi32, #tpu.memory_space<vmem>>) semaphore(%arg9 : memref<!tpu.dma_semaphore, #tpu.memory_space<semaphore_mem>>) {add = true}
    }
    %scan3A_22 = arith.constant 196 : i32
    %dma_wait3A = arith.constant 1 : i32
    %dma_wait3A_23 = arith.constant 0 : i32
    %dma_wait3A_24 = arith.constant 1 : i32
    %dma_wait3A_25 = arith.constant 0 : i32
    %dma_wait3A_26 = arith.constant 1 : i32
    %dma_wait3A_27 = arith.constant 0 : i32
    %dma_wait3A_28 = arith.constant 0 : i32
    %dma_wait3A_29 = tpu.memref_slice %arg7[%dma_wait3A, %dma_wait3A_23, %dma_wait3A_27, %dma_wait3A_28] : memref<2x2x128x32xf32, #tpu.memory_space<vmem>> -> memref<1x1x128x32xf32, #tpu.memory_space<vmem>>
    %dma_wait3A_30 = tpu.memref_squeeze %dma_wait3A_29 : memref<1x1x128x32xf32, #tpu.memory_space<vmem>> -> memref<128x32xf32, #tpu.memory_space<vmem>>
    %dma_wait3A_31 = arith.constant 0 : i32
    %dma_wait3A_32 = tpu.memref_slice %arg6[%dma_wait3A_24, %dma_wait3A_25, %dma_wait3A_26, %dma_wait3A_31] : memref<2x2x2x128xi32, #tpu.memory_space<vmem>> -> memref<1x1x1x128xi32, #tpu.memory_space<vmem>>
    %dma_wait3A_33 = tpu.memref_squeeze %dma_wait3A_32 : memref<1x1x1x128xi32, #tpu.memory_space<vmem>> -> memref<128xi32, #tpu.memory_space<vmem>>
    %dma_wait3A_34 = arith.constant 0 : i32
    %dma_wait3A_35 = arith.constant 0 : i32
    %dma_wait3A_36 = tpu.memref_slice %arg5[%dma_wait3A_34, %dma_wait3A_35] : memref<50176x32xf32, #tpu.memory_space<vmem_shared>> -> memref<50176x32xf32, #tpu.memory_space<vmem_shared>>
    tpu.wait_indirect_dma semaphore(%arg9 : memref<!tpu.dma_semaphore, #tpu.memory_space<semaphore_mem>>) src(%dma_wait3A_30 : memref<128x32xf32, #tpu.memory_space<vmem>>) dst(%dma_wait3A_36 : memref<50176x32xf32, #tpu.memory_space<vmem_shared>>)
    %dma_wait3A_37 = arith.constant 1 : i32
    %dma_wait3A_38 = arith.constant 1 : i32
    %dma_wait3A_39 = arith.constant 1 : i32
    %dma_wait3A_40 = arith.constant 1 : i32
    %dma_wait3A_41 = arith.constant 1 : i32
    %dma_wait3A_42 = arith.constant 0 : i32
    %dma_wait3A_43 = arith.constant 0 : i32
    %dma_wait3A_44 = tpu.memref_slice %arg7[%dma_wait3A_37, %dma_wait3A_38, %dma_wait3A_42, %dma_wait3A_43] : memref<2x2x128x32xf32, #tpu.memory_space<vmem>> -> memref<1x1x128x32xf32, #tpu.memory_space<vmem>>
    %dma_wait3A_45 = tpu.memref_squeeze %dma_wait3A_44 : memref<1x1x128x32xf32, #tpu.memory_space<vmem>> -> memref<128x32xf32, #tpu.memory_space<vmem>>
    %dma_wait3A_46 = arith.constant 0 : i32
    %dma_wait3A_47 = tpu.memref_slice %arg6[%dma_wait3A_39, %dma_wait3A_40, %dma_wait3A_41, %dma_wait3A_46] : memref<2x2x2x128xi32, #tpu.memory_space<vmem>> -> memref<1x1x1x128xi32, #tpu.memory_space<vmem>>
    %dma_wait3A_48 = tpu.memref_squeeze %dma_wait3A_47 : memref<1x1x1x128xi32, #tpu.memory_space<vmem>> -> memref<128xi32, #tpu.memory_space<vmem>>
    %dma_wait3A_49 = arith.constant 0 : i32
    %dma_wait3A_50 = arith.constant 0 : i32
    %dma_wait3A_51 = tpu.memref_slice %arg5[%dma_wait3A_49, %dma_wait3A_50] : memref<50176x32xf32, #tpu.memory_space<vmem_shared>> -> memref<50176x32xf32, #tpu.memory_space<vmem_shared>>
    tpu.wait_indirect_dma semaphore(%arg9 : memref<!tpu.dma_semaphore, #tpu.memory_space<semaphore_mem>>) src(%dma_wait3A_45 : memref<128x32xf32, #tpu.memory_space<vmem>>) dst(%dma_wait3A_51 : memref<50176x32xf32, #tpu.memory_space<vmem_shared>>)
    %barrier3A_52 = arith.constant 0 : index
    tpu.barrier barrier_id(%barrier3A_52)
    %mul3A_53 = arith.constant 3136 : i32
    %mul3A_54 = arith.muli %arg1, %mul3A_53 : i32
    %multiple_of3A_55 = tpu.assume_multiple %mul3A_54, 8 : i32
    %lt3A = arith.constant 15 : i32
    %lt3A_56 = arith.cmpi slt, %arg1, %lt3A : i32
    %convert_element_type3A = arith.extui %lt3A_56 : i1 to i32
    %cond3A = arith.constant 0 : i32
    %cond3A_57 = arith.cmpi ne, %convert_element_type3A, %cond3A : i32
    scf.if %cond3A_57 {
      "tpu.region"() ({
        %run_scoped3A_62 = tpu.sem_alloc : memref<!tpu.dma_semaphore, #tpu.memory_space<semaphore_mem>>
        %dma_start3A = arith.constant 0 : i32
        %dma_start3A_63 = tpu.memref_slice %arg4[%arg0, %multiple_of3A_55, %dma_start3A] : memref<2x50000x32xf32, #tpu.memory_space<hbm>> -> memref<1x3136x32xf32, #tpu.memory_space<hbm>>
        %dma_start3A_64 = tpu.memref_squeeze %dma_start3A_63 : memref<1x3136x32xf32, #tpu.memory_space<hbm>> -> memref<3136x32xf32, #tpu.memory_space<hbm>>
        %dma_start3A_65 = arith.constant 0 : i32
        %dma_start3A_66 = tpu.memref_slice %arg5[%multiple_of3A_55, %dma_start3A_65] : memref<50176x32xf32, #tpu.memory_space<vmem_shared>> -> memref<3136x32xf32, #tpu.memory_space<vmem_shared>>
        tpu.enqueue_dma source(%dma_start3A_66 : memref<3136x32xf32, #tpu.memory_space<vmem_shared>>) target(%dma_start3A_64 : memref<3136x32xf32, #tpu.memory_space<hbm>>) target_semaphore(%run_scoped3A_62 : memref<!tpu.dma_semaphore, #tpu.memory_space<semaphore_mem>>)
        %dma_wait3A_67 = arith.constant 0 : i32
        %dma_wait3A_68 = tpu.memref_slice %arg4[%arg0, %multiple_of3A_55, %dma_wait3A_67] : memref<2x50000x32xf32, #tpu.memory_space<hbm>> -> memref<1x3136x32xf32, #tpu.memory_space<hbm>>
        %dma_wait3A_69 = tpu.memref_squeeze %dma_wait3A_68 : memref<1x3136x32xf32, #tpu.memory_space<hbm>> -> memref<3136x32xf32, #tpu.memory_space<hbm>>
        %dma_wait3A_70 = arith.constant 0 : i32
        %dma_wait3A_71 = tpu.memref_slice %arg5[%multiple_of3A_55, %dma_wait3A_70] : memref<50176x32xf32, #tpu.memory_space<vmem_shared>> -> memref<3136x32xf32, #tpu.memory_space<vmem_shared>>
        tpu.wait_dma2 semaphore(%run_scoped3A_62 : memref<!tpu.dma_semaphore, #tpu.memory_space<semaphore_mem>>) src(%dma_wait3A_71 : memref<3136x32xf32, #tpu.memory_space<vmem_shared>>) dst(%dma_wait3A_69 : memref<3136x32xf32, #tpu.memory_space<hbm>>)
        tpu.yield
      }) : () -> ()
    } else {
    }
    %eq3A = arith.constant 15 : i32
    %eq3A_58 = arith.cmpi eq, %arg1, %eq3A : i32
    %convert_element_type3A_59 = arith.extui %eq3A_58 : i1 to i32
    %cond3A_60 = arith.constant 0 : i32
    %cond3A_61 = arith.cmpi ne, %convert_element_type3A_59, %cond3A_60 : i32
    scf.if %cond3A_61 {
      "tpu.region"() ({
        %run_scoped3A_62 = tpu.sem_alloc : memref<!tpu.dma_semaphore, #tpu.memory_space<semaphore_mem>>
        %dma_start3A = arith.constant 0 : i32
        %dma_start3A_63 = tpu.memref_slice %arg4[%arg0, %multiple_of3A_55, %dma_start3A] : memref<2x50000x32xf32, #tpu.memory_space<hbm>> -> memref<1x2960x32xf32, #tpu.memory_space<hbm>>
        %dma_start3A_64 = tpu.memref_squeeze %dma_start3A_63 : memref<1x2960x32xf32, #tpu.memory_space<hbm>> -> memref<2960x32xf32, #tpu.memory_space<hbm>>
        %dma_start3A_65 = arith.constant 0 : i32
        %dma_start3A_66 = tpu.memref_slice %arg5[%multiple_of3A_55, %dma_start3A_65] : memref<50176x32xf32, #tpu.memory_space<vmem_shared>> -> memref<2960x32xf32, #tpu.memory_space<vmem_shared>>
        tpu.enqueue_dma source(%dma_start3A_66 : memref<2960x32xf32, #tpu.memory_space<vmem_shared>>) target(%dma_start3A_64 : memref<2960x32xf32, #tpu.memory_space<hbm>>) target_semaphore(%run_scoped3A_62 : memref<!tpu.dma_semaphore, #tpu.memory_space<semaphore_mem>>)
        %dma_wait3A_67 = arith.constant 0 : i32
        %dma_wait3A_68 = tpu.memref_slice %arg4[%arg0, %multiple_of3A_55, %dma_wait3A_67] : memref<2x50000x32xf32, #tpu.memory_space<hbm>> -> memref<1x2960x32xf32, #tpu.memory_space<hbm>>
        %dma_wait3A_69 = tpu.memref_squeeze %dma_wait3A_68 : memref<1x2960x32xf32, #tpu.memory_space<hbm>> -> memref<2960x32xf32, #tpu.memory_space<hbm>>
        %dma_wait3A_70 = arith.constant 0 : i32
        %dma_wait3A_71 = tpu.memref_slice %arg5[%multiple_of3A_55, %dma_wait3A_70] : memref<50176x32xf32, #tpu.memory_space<vmem_shared>> -> memref<2960x32xf32, #tpu.memory_space<vmem_shared>>
        tpu.wait_dma2 semaphore(%run_scoped3A_62 : memref<!tpu.dma_semaphore, #tpu.memory_space<semaphore_mem>>) src(%dma_wait3A_71 : memref<2960x32xf32, #tpu.memory_space<vmem_shared>>) dst(%dma_wait3A_69 : memref<2960x32xf32, #tpu.memory_space<hbm>>)
        tpu.yield
      }) : () -> ()
    } else {
    }
    return
  }
}

#map = affine_map<(d0, d1) -> (0, 0)>
#map1 = affine_map<(d0, d1) -> (0, 0, 0, 0)>
#map2 = affine_map<(d0, d1) -> (0, 0, 0)>
module attributes {stable_mosaic.version = 14 : i64} {
  func.func @body(%arg0: i32, %arg1: i32, %arg2: memref<100000x32xf32, #tpu.memory_space<hbm>>, %arg3: memref<2x6272x2x128xi32, #tpu.memory_space<hbm>>, %arg4: memref<2x50000x32xf32, #tpu.memory_space<hbm>>, %arg5: memref<50176x32xf32, #tpu.memory_space<vmem_shared>>, %arg6: memref<2x2x2x128xi32, #tpu.memory_space<vmem>>, %arg7: memref<2x2x128x32xf32, #tpu.memory_space<vmem>>, %arg8: memref<!tpu.dma_semaphore, #tpu.memory_space<semaphore_mem>>, %arg9: memref<!tpu.dma_semaphore, #tpu.memory_space<semaphore_mem>>) attributes {dimension_semantics = [#tpu.dimension_semantics<core_parallel>, #tpu.dimension_semantics<subcore_parallel>], iteration_bounds = array<i64: 2, 16>, scalar_prefetch = 0 : i64, scratch_operands = 5 : i64, tpu.core_type = #tpu.core_type<sc_vector_subcore>, window_params = [{transform_indices = #map}, {transform_indices = #map1}, {transform_indices = #map2}]} {
    %scan3A = arith.constant 0 : i32
    %scan3A_0 = arith.constant 0 : i32
    %scan3A_1 = arith.constant 128 : i32
    %scan3A_2 = arith.addi %scan3A_0, %scan3A_1 : i32
    %scan3A_3 = arith.constant 1 : i32
    scf.for %scan3A_62 = %scan3A_0 to %scan3A_2 step %scan3A_3  : i32 {
      %broadcast_in_dim3A = arith.constant 0.000000e+00 : f32
      %broadcast_in_dim3A_63 = vector.broadcast %broadcast_in_dim3A : f32 to vector<16xf32>
      %swap3A = arith.constant 0 : i32
      %swap3A_64 = arith.constant 0 : i32
      %swap3A_65 = arith.index_cast %swap3A : i32 to index
      %swap3A_66 = arith.index_cast %swap3A_64 : i32 to index
      %swap3A_67 = arith.index_cast %scan3A_62 : i32 to index
      %swap3A_68 = arith.constant 0 : index
      %swap3A_69 = tpu.vector_load %arg7[%swap3A_65, %swap3A_66, %swap3A_67, %swap3A_68] {strides = array<i32>} : memref<2x2x128x32xf32, #tpu.memory_space<vmem>>, vector<1x1x1x16xf32>,
      %swap3A_70 = vector.shape_cast %swap3A_69 : vector<1x1x1x16xf32> to vector<16xf32>
      %swap3A_71 = vector.shape_cast %broadcast_in_dim3A_63 : vector<16xf32> to vector<1x1x1x16xf32>
      tpu.vector_store %arg7[%swap3A_65, %swap3A_66, %swap3A_67, %swap3A_68], %swap3A_71 {strides = array<i32>} : memref<2x2x128x32xf32, #tpu.memory_space<vmem>>, vector<1x1x1x16xf32>,
      %broadcast_in_dim3A_72 = arith.constant 0.000000e+00 : f32
      %broadcast_in_dim3A_73 = vector.broadcast %broadcast_in_dim3A_72 : f32 to vector<16xf32>
      %swap3A_74 = arith.constant 0 : i32
      %swap3A_75 = arith.constant 0 : i32
      %swap3A_76 = arith.index_cast %swap3A_74 : i32 to index
      %swap3A_77 = arith.index_cast %swap3A_75 : i32 to index
      %swap3A_78 = arith.index_cast %scan3A_62 : i32 to index
      %swap3A_79 = arith.constant 16 : index
      %swap3A_80 = tpu.vector_load %arg7[%swap3A_76, %swap3A_77, %swap3A_78, %swap3A_79] {strides = array<i32>} : memref<2x2x128x32xf32, #tpu.memory_space<vmem>>, vector<1x1x1x16xf32>,
      %swap3A_81 = vector.shape_cast %swap3A_80 : vector<1x1x1x16xf32> to vector<16xf32>
      %swap3A_82 = vector.shape_cast %broadcast_in_dim3A_73 : vector<16xf32> to vector<1x1x1x16xf32>
      tpu.vector_store %arg7[%swap3A_76, %swap3A_77, %swap3A_78, %swap3A_79], %swap3A_82 {strides = array<i32>} : memref<2x2x128x32xf32, #tpu.memory_space<vmem>>, vector<1x1x1x16xf32>,
    }
    %scan3A_4 = arith.constant 128 : i32
    %mul3A = arith.constant 3136 : i32
    %mul3A_5 = arith.muli %arg1, %mul3A : i32
    %multiple_of3A = tpu.assume_multiple %mul3A_5, 8 : i32
    %scan3A_6 = arith.constant 0 : i32
    %scan3A_7 = arith.constant 0 : i32
    %scan3A_8 = arith.constant 24 : i32
    %scan3A_9 = arith.addi %scan3A_7, %scan3A_8 : i32
    %scan3A_10 = arith.constant 1 : i32
    scf.for %scan3A_62 = %scan3A_7 to %scan3A_9 step %scan3A_10  : i32 {
      %mul3A_63 = arith.constant 128 : i32
      %mul3A_64 = arith.muli %scan3A_62, %mul3A_63 : i32
      %add3A_65 = arith.addi %multiple_of3A, %mul3A_64 : i32
      %multiple_of3A_66 = tpu.assume_multiple %add3A_65, 8 : i32
      %run_scoped3A_67 = arith.constant 0 : i32
      %run_scoped3A_68 = arith.constant 0 : i32
      "tpu.region"() ({
        %run_scoped3A_69 = tpu.sem_alloc : memref<!tpu.dma_semaphore, #tpu.memory_space<semaphore_mem>>
        %dma_start3A = arith.constant 0 : i32
        %dma_start3A_70 = arith.constant 0 : i32
        %dma_start3A_71 = tpu.memref_slice %arg7[%run_scoped3A_67, %run_scoped3A_68, %dma_start3A, %dma_start3A_70] : memref<2x2x128x32xf32, #tpu.memory_space<vmem>> -> memref<1x1x128x32xf32, #tpu.memory_space<vmem>>
        %dma_start3A_72 = tpu.memref_squeeze %dma_start3A_71 : memref<1x1x128x32xf32, #tpu.memory_space<vmem>> -> memref<128x32xf32, #tpu.memory_space<vmem>>
        %dma_start3A_73 = arith.constant 0 : i32
        %dma_start3A_74 = tpu.memref_slice %arg5[%multiple_of3A_66, %dma_start3A_73] : memref<50176x32xf32, #tpu.memory_space<vmem_shared>> -> memref<128x32xf32, #tpu.memory_space<vmem_shared>>
        %dma_start3A_75 = arith.constant 0 : i32
        %dma_start3A_76 = tpu.memref_slice %arg5[%multiple_of3A_66, %dma_start3A_75] : memref<50176x32xf32, #tpu.memory_space<vmem_shared>> -> memref<128x32xf32, #tpu.memory_space<vmem_shared>>
        %dma_start3A_77 = arith.constant 0 : i32
        %dma_start3A_78 = arith.constant 0 : i32
        %dma_start3A_79 = tpu.memref_slice %arg7[%run_scoped3A_67, %run_scoped3A_68, %dma_start3A_77, %dma_start3A_78] : memref<2x2x128x32xf32, #tpu.memory_space<vmem>> -> memref<1x1x128x32xf32, #tpu.memory_space<vmem>>
        %dma_start3A_80 = tpu.memref_squeeze %dma_start3A_79 : memref<1x1x128x32xf32, #tpu.memory_space<vmem>> -> memref<128x32xf32, #tpu.memory_space<vmem>>
        tpu.enqueue_dma source(%dma_start3A_80 : memref<128x32xf32, #tpu.memory_space<vmem>>) target(%dma_start3A_76 : memref<128x32xf32, #tpu.memory_space<vmem_shared>>) target_semaphore(%run_scoped3A_69 : memref<!tpu.dma_semaphore, #tpu.memory_space<semaphore_mem>>)
        %dma_wait3A_81 = arith.constant 0 : i32
        %dma_wait3A_82 = arith.constant 0 : i32
        %dma_wait3A_83 = tpu.memref_slice %arg7[%run_scoped3A_67, %run_scoped3A_68, %dma_wait3A_81, %dma_wait3A_82] : memref<2x2x128x32xf32, #tpu.memory_space<vmem>> -> memref<1x1x128x32xf32, #tpu.memory_space<vmem>>
        %dma_wait3A_84 = tpu.memref_squeeze %dma_wait3A_83 : memref<1x1x128x32xf32, #tpu.memory_space<vmem>> -> memref<128x32xf32, #tpu.memory_space<vmem>>
        %dma_wait3A_85 = arith.constant 0 : i32
        %dma_wait3A_86 = tpu.memref_slice %arg5[%multiple_of3A_66, %dma_wait3A_85] : memref<50176x32xf32, #tpu.memory_space<vmem_shared>> -> memref<128x32xf32, #tpu.memory_space<vmem_shared>>
        %dma_wait3A_87 = arith.constant 0 : i32
        %dma_wait3A_88 = tpu.memref_slice %arg5[%multiple_of3A_66, %dma_wait3A_87] : memref<50176x32xf32, #tpu.memory_space<vmem_shared>> -> memref<128x32xf32, #tpu.memory_space<vmem_shared>>
        %dma_wait3A_89 = arith.constant 0 : i32
        %dma_wait3A_90 = arith.constant 0 : i32
        %dma_wait3A_91 = tpu.memref_slice %arg7[%run_scoped3A_67, %run_scoped3A_68, %dma_wait3A_89, %dma_wait3A_90] : memref<2x2x128x32xf32, #tpu.memory_space<vmem>> -> memref<1x1x128x32xf32, #tpu.memory_space<vmem>>
        %dma_wait3A_92 = tpu.memref_squeeze %dma_wait3A_91 : memref<1x1x128x32xf32, #tpu.memory_space<vmem>> -> memref<128x32xf32, #tpu.memory_space<vmem>>
        tpu.wait_dma2 semaphore(%run_scoped3A_69 : memref<!tpu.dma_semaphore, #tpu.memory_space<semaphore_mem>>) src(%dma_wait3A_92 : memref<128x32xf32, #tpu.memory_space<vmem>>) dst(%dma_wait3A_88 : memref<128x32xf32, #tpu.memory_space<vmem_shared>>)
        tpu.yield
      }) : () -> ()
    }
    %scan3A_11 = arith.constant 24 : i32
    %add3A = arith.constant 3072 : i32
    %add3A_12 = arith.addi %multiple_of3A, %add3A : i32
    %multiple_of3A_13 = tpu.assume_multiple %add3A_12, 8 : i32
    %run_scoped3A = arith.constant 0 : i32
    %run_scoped3A_14 = arith.constant 0 : i32
    "tpu.region"() ({
      %run_scoped3A_62 = tpu.sem_alloc : memref<!tpu.dma_semaphore, #tpu.memory_space<semaphore_mem>>
      %dma_start3A = arith.constant 0 : i32
      %dma_start3A_63 = arith.constant 0 : i32
      %dma_start3A_64 = tpu.memref_slice %arg7[%run_scoped3A, %run_scoped3A_14, %dma_start3A, %dma_start3A_63] : memref<2x2x128x32xf32, #tpu.memory_space<vmem>> -> memref<1x1x64x32xf32, #tpu.memory_space<vmem>>
      %dma_start3A_65 = tpu.memref_squeeze %dma_start3A_64 : memref<1x1x64x32xf32, #tpu.memory_space<vmem>> -> memref<64x32xf32, #tpu.memory_space<vmem>>
      %dma_start3A_66 = arith.constant 0 : i32
      %dma_start3A_67 = tpu.memref_slice %arg5[%multiple_of3A_13, %dma_start3A_66] : memref<50176x32xf32, #tpu.memory_space<vmem_shared>> -> memref<64x32xf32, #tpu.memory_space<vmem_shared>>
      %dma_start3A_68 = arith.constant 0 : i32
      %dma_start3A_69 = tpu.memref_slice %arg5[%multiple_of3A_13, %dma_start3A_68] : memref<50176x32xf32, #tpu.memory_space<vmem_shared>> -> memref<64x32xf32, #tpu.memory_space<vmem_shared>>
      %dma_start3A_70 = arith.constant 0 : i32
      %dma_start3A_71 = arith.constant 0 : i32
      %dma_start3A_72 = tpu.memref_slice %arg7[%run_scoped3A, %run_scoped3A_14, %dma_start3A_70, %dma_start3A_71] : memref<2x2x128x32xf32, #tpu.memory_space<vmem>> -> memref<1x1x64x32xf32, #tpu.memory_space<vmem>>
      %dma_start3A_73 = tpu.memref_squeeze %dma_start3A_72 : memref<1x1x64x32xf32, #tpu.memory_space<vmem>> -> memref<64x32xf32, #tpu.memory_space<vmem>>
      tpu.enqueue_dma source(%dma_start3A_73 : memref<64x32xf32, #tpu.memory_space<vmem>>) target(%dma_start3A_69 : memref<64x32xf32, #tpu.memory_space<vmem_shared>>) target_semaphore(%run_scoped3A_62 : memref<!tpu.dma_semaphore, #tpu.memory_space<semaphore_mem>>)
      %dma_wait3A_74 = arith.constant 0 : i32
      %dma_wait3A_75 = arith.constant 0 : i32
      %dma_wait3A_76 = tpu.memref_slice %arg7[%run_scoped3A, %run_scoped3A_14, %dma_wait3A_74, %dma_wait3A_75] : memref<2x2x128x32xf32, #tpu.memory_space<vmem>> -> memref<1x1x64x32xf32, #tpu.memory_space<vmem>>
      %dma_wait3A_77 = tpu.memref_squeeze %dma_wait3A_76 : memref<1x1x64x32xf32, #tpu.memory_space<vmem>> -> memref<64x32xf32, #tpu.memory_space<vmem>>
      %dma_wait3A_78 = arith.constant 0 : i32
      %dma_wait3A_79 = tpu.memref_slice %arg5[%multiple_of3A_13, %dma_wait3A_78] : memref<50176x32xf32, #tpu.memory_space<vmem_shared>> -> memref<64x32xf32, #tpu.memory_space<vmem_shared>>
      %dma_wait3A_80 = arith.constant 0 : i32
      %dma_wait3A_81 = tpu.memref_slice %arg5[%multiple_of3A_13, %dma_wait3A_80] : memref<50176x32xf32, #tpu.memory_space<vmem_shared>> -> memref<64x32xf32, #tpu.memory_space<vmem_shared>>
      %dma_wait3A_82 = arith.constant 0 : i32
      %dma_wait3A_83 = arith.constant 0 : i32
      %dma_wait3A_84 = tpu.memref_slice %arg7[%run_scoped3A, %run_scoped3A_14, %dma_wait3A_82, %dma_wait3A_83] : memref<2x2x128x32xf32, #tpu.memory_space<vmem>> -> memref<1x1x64x32xf32, #tpu.memory_space<vmem>>
      %dma_wait3A_85 = tpu.memref_squeeze %dma_wait3A_84 : memref<1x1x64x32xf32, #tpu.memory_space<vmem>> -> memref<64x32xf32, #tpu.memory_space<vmem>>
      tpu.wait_dma2 semaphore(%run_scoped3A_62 : memref<!tpu.dma_semaphore, #tpu.memory_space<semaphore_mem>>) src(%dma_wait3A_85 : memref<64x32xf32, #tpu.memory_space<vmem>>) dst(%dma_wait3A_81 : memref<64x32xf32, #tpu.memory_space<vmem_shared>>)
      tpu.yield
    }) : () -> ()
    %barrier3A = arith.constant 0 : index
    tpu.barrier barrier_id(%barrier3A)
    %mul3A_15 = arith.constant 392 : i32
    %mul3A_16 = arith.muli %arg1, %mul3A_15 : i32
    %scan3A_17 = arith.constant 0 : i32
    %scan3A_18 = arith.constant 0 : i32
    %scan3A_19 = arith.constant 196 : i32
    %scan3A_20 = arith.addi %scan3A_18, %scan3A_19 : i32
    %scan3A_21 = arith.constant 1 : i32
    scf.for %scan3A_62 = %scan3A_18 to %scan3A_20 step %scan3A_21  : i32 {
      %rem3A = arith.constant 2 : i32
      %rem3A_63 = arith.remsi %scan3A_62, %rem3A : i32
      %sub3A = arith.constant 1 : i32
      %sub3A_64 = arith.subi %sub3A, %rem3A_63 : i32
      %gt3A = arith.constant 0 : i32
      %gt3A_65 = arith.cmpi sgt, %scan3A_62, %gt3A : i32
      %convert_element_type3A_66 = arith.extui %gt3A_65 : i1 to i32
      %cond3A_67 = arith.constant 0 : i32
      %cond3A_68 = arith.cmpi ne, %convert_element_type3A_66, %cond3A_67 : i32
      scf.if %cond3A_68 {
        %dma_wait3A_149 = arith.constant 0 : i32
        %dma_wait3A_150 = arith.constant 0 : i32
        %dma_wait3A_151 = arith.constant 1 : i32
        %dma_wait3A_152 = arith.constant 0 : i32
        %dma_wait3A_153 = arith.constant 0 : i32
        %dma_wait3A_154 = tpu.memref_slice %arg7[%sub3A_64, %dma_wait3A_149, %dma_wait3A_152, %dma_wait3A_153] : memref<2x2x128x32xf32, #tpu.memory_space<vmem>> -> memref<1x1x128x32xf32, #tpu.memory_space<vmem>>
        %dma_wait3A_155 = tpu.memref_squeeze %dma_wait3A_154 : memref<1x1x128x32xf32, #tpu.memory_space<vmem>> -> memref<128x32xf32, #tpu.memory_space<vmem>>
        %dma_wait3A_156 = arith.constant 0 : i32
        %dma_wait3A_157 = tpu.memref_slice %arg6[%sub3A_64, %dma_wait3A_150, %dma_wait3A_151, %dma_wait3A_156] : memref<2x2x2x128xi32, #tpu.memory_space<vmem>> -> memref<1x1x1x128xi32, #tpu.memory_space<vmem>>
        %dma_wait3A_158 = tpu.memref_squeeze %dma_wait3A_157 : memref<1x1x1x128xi32, #tpu.memory_space<vmem>> -> memref<128xi32, #tpu.memory_space<vmem>>
        %dma_wait3A_159 = arith.constant 0 : i32
        %dma_wait3A_160 = arith.constant 0 : i32
        %dma_wait3A_161 = tpu.memref_slice %arg5[%dma_wait3A_159, %dma_wait3A_160] : memref<50176x32xf32, #tpu.memory_space<vmem_shared>> -> memref<50176x32xf32, #tpu.memory_space<vmem_shared>>
        tpu.wait_indirect_dma semaphore(%arg9 : memref<!tpu.dma_semaphore, #tpu.memory_space<semaphore_mem>>) src(%dma_wait3A_155 : memref<128x32xf32, #tpu.memory_space<vmem>>) dst(%dma_wait3A_161 : memref<50176x32xf32, #tpu.memory_space<vmem_shared>>)
        %dma_wait3A_162 = arith.constant 1 : i32
        %dma_wait3A_163 = arith.constant 1 : i32
        %dma_wait3A_164 = arith.constant 1 : i32
        %dma_wait3A_165 = arith.constant 0 : i32
        %dma_wait3A_166 = arith.constant 0 : i32
        %dma_wait3A_167 = tpu.memref_slice %arg7[%sub3A_64, %dma_wait3A_162, %dma_wait3A_165, %dma_wait3A_166] : memref<2x2x128x32xf32, #tpu.memory_space<vmem>> -> memref<1x1x128x32xf32, #tpu.memory_space<vmem>>
        %dma_wait3A_168 = tpu.memref_squeeze %dma_wait3A_167 : memref<1x1x128x32xf32, #tpu.memory_space<vmem>> -> memref<128x32xf32, #tpu.memory_space<vmem>>
        %dma_wait3A_169 = arith.constant 0 : i32
        %dma_wait3A_170 = tpu.memref_slice %arg6[%sub3A_64, %dma_wait3A_163, %dma_wait3A_164, %dma_wait3A_169] : memref<2x2x2x128xi32, #tpu.memory_space<vmem>> -> memref<1x1x1x128xi32, #tpu.memory_space<vmem>>
        %dma_wait3A_171 = tpu.memref_squeeze %dma_wait3A_170 : memref<1x1x1x128xi32, #tpu.memory_space<vmem>> -> memref<128xi32, #tpu.memory_space<vmem>>
        %dma_wait3A_172 = arith.constant 0 : i32
        %dma_wait3A_173 = arith.constant 0 : i32
        %dma_wait3A_174 = tpu.memref_slice %arg5[%dma_wait3A_172, %dma_wait3A_173] : memref<50176x32xf32, #tpu.memory_space<vmem_shared>> -> memref<50176x32xf32, #tpu.memory_space<vmem_shared>>
        tpu.wait_indirect_dma semaphore(%arg9 : memref<!tpu.dma_semaphore, #tpu.memory_space<semaphore_mem>>) src(%dma_wait3A_168 : memref<128x32xf32, #tpu.memory_space<vmem>>) dst(%dma_wait3A_174 : memref<50176x32xf32, #tpu.memory_space<vmem_shared>>)
      } else {
      }
      %mul3A_69 = arith.constant 2 : i32
      %mul3A_70 = arith.muli %scan3A_62, %mul3A_69 : i32
      %add3A_71 = arith.addi %mul3A_16, %mul3A_70 : i32
      "tpu.region"() ({
        %run_scoped3A_149 = tpu.sem_alloc : memref<!tpu.dma_semaphore, #tpu.memory_space<semaphore_mem>>
        %dma_start3A_150 = arith.constant 0 : i32
        %dma_start3A_151 = arith.constant 0 : i32
        %dma_start3A_152 = arith.constant 0 : i32
        %dma_start3A_153 = tpu.memref_slice %arg6[%rem3A_63, %dma_start3A_150, %dma_start3A_151, %dma_start3A_152] : memref<2x2x2x128xi32, #tpu.memory_space<vmem>> -> memref<1x2x2x128xi32, #tpu.memory_space<vmem>>
        %dma_start3A_154 = tpu.memref_squeeze %dma_start3A_153 : memref<1x2x2x128xi32, #tpu.memory_space<vmem>> -> memref<2x2x128xi32, #tpu.memory_space<vmem>>
        %dma_start3A_155 = arith.constant 0 : i32
        %dma_start3A_156 = arith.constant 0 : i32
        %dma_start3A_157 = tpu.memref_slice %arg3[%arg0, %add3A_71, %dma_start3A_155, %dma_start3A_156] : memref<2x6272x2x128xi32, #tpu.memory_space<hbm>> -> memref<1x2x2x128xi32, #tpu.memory_space<hbm>>
        %dma_start3A_158 = tpu.memref_squeeze %dma_start3A_157 : memref<1x2x2x128xi32, #tpu.memory_space<hbm>> -> memref<2x2x128xi32, #tpu.memory_space<hbm>>
        %dma_start3A_159 = arith.constant 0 : i32
        %dma_start3A_160 = arith.constant 0 : i32
        %dma_start3A_161 = arith.constant 0 : i32
        %dma_start3A_162 = tpu.memref_slice %arg6[%rem3A_63, %dma_start3A_159, %dma_start3A_160, %dma_start3A_161] : memref<2x2x2x128xi32, #tpu.memory_space<vmem>> -> memref<1x2x2x128xi32, #tpu.memory_space<vmem>>
        %dma_start3A_163 = tpu.memref_squeeze %dma_start3A_162 : memref<1x2x2x128xi32, #tpu.memory_space<vmem>> -> memref<2x2x128xi32, #tpu.memory_space<vmem>>
        %dma_start3A_164 = arith.constant 0 : i32
        %dma_start3A_165 = arith.constant 0 : i32
        %dma_start3A_166 = tpu.memref_slice %arg3[%arg0, %add3A_71, %dma_start3A_164, %dma_start3A_165] : memref<2x6272x2x128xi32, #tpu.memory_space<hbm>> -> memref<1x2x2x128xi32, #tpu.memory_space<hbm>>
        %dma_start3A_167 = tpu.memref_squeeze %dma_start3A_166 : memref<1x2x2x128xi32, #tpu.memory_space<hbm>> -> memref<2x2x128xi32, #tpu.memory_space<hbm>>
        tpu.enqueue_dma source(%dma_start3A_167 : memref<2x2x128xi32, #tpu.memory_space<hbm>>) target(%dma_start3A_163 : memref<2x2x128xi32, #tpu.memory_space<vmem>>) target_semaphore(%run_scoped3A_149 : memref<!tpu.dma_semaphore, #tpu.memory_space<semaphore_mem>>)
        %dma_wait3A_168 = arith.constant 0 : i32
        %dma_wait3A_169 = arith.constant 0 : i32
        %dma_wait3A_170 = arith.constant 0 : i32
        %dma_wait3A_171 = tpu.memref_slice %arg6[%rem3A_63, %dma_wait3A_168, %dma_wait3A_169, %dma_wait3A_170] : memref<2x2x2x128xi32, #tpu.memory_space<vmem>> -> memref<1x2x2x128xi32, #tpu.memory_space<vmem>>
        %dma_wait3A_172 = tpu.memref_squeeze %dma_wait3A_171 : memref<1x2x2x128xi32, #tpu.memory_space<vmem>> -> memref<2x2x128xi32, #tpu.memory_space<vmem>>
        %dma_wait3A_173 = arith.constant 0 : i32
        %dma_wait3A_174 = arith.constant 0 : i32
        %dma_wait3A_175 = tpu.memref_slice %arg3[%arg0, %add3A_71, %dma_wait3A_173, %dma_wait3A_174] : memref<2x6272x2x128xi32, #tpu.memory_space<hbm>> -> memref<1x2x2x128xi32, #tpu.memory_space<hbm>>
        %dma_wait3A_176 = tpu.memref_squeeze %dma_wait3A_175 : memref<1x2x2x128xi32, #tpu.memory_space<hbm>> -> memref<2x2x128xi32, #tpu.memory_space<hbm>>
        %dma_wait3A_177 = arith.constant 0 : i32
        %dma_wait3A_178 = arith.constant 0 : i32
        %dma_wait3A_179 = arith.constant 0 : i32
        %dma_wait3A_180 = tpu.memref_slice %arg6[%rem3A_63, %dma_wait3A_177, %dma_wait3A_178, %dma_wait3A_179] : memref<2x2x2x128xi32, #tpu.memory_space<vmem>> -> memref<1x2x2x128xi32, #tpu.memory_space<vmem>>
        %dma_wait3A_181 = tpu.memref_squeeze %dma_wait3A_180 : memref<1x2x2x128xi32, #tpu.memory_space<vmem>> -> memref<2x2x128xi32, #tpu.memory_space<vmem>>
        %dma_wait3A_182 = arith.constant 0 : i32
        %dma_wait3A_183 = arith.constant 0 : i32
        %dma_wait3A_184 = tpu.memref_slice %arg3[%arg0, %add3A_71, %dma_wait3A_182, %dma_wait3A_183] : memref<2x6272x2x128xi32, #tpu.memory_space<hbm>> -> memref<1x2x2x128xi32, #tpu.memory_space<hbm>>
        %dma_wait3A_185 = tpu.memref_squeeze %dma_wait3A_184 : memref<1x2x2x128xi32, #tpu.memory_space<hbm>> -> memref<2x2x128xi32, #tpu.memory_space<hbm>>
        tpu.wait_dma2 semaphore(%run_scoped3A_149 : memref<!tpu.dma_semaphore, #tpu.memory_space<semaphore_mem>>) src(%dma_wait3A_185 : memref<2x2x128xi32, #tpu.memory_space<hbm>>) dst(%dma_wait3A_181 : memref<2x2x128xi32, #tpu.memory_space<vmem>>)
        tpu.yield
      }) : () -> ()
      %dma_start3A = arith.constant 0 : i32
      %dma_start3A_72 = arith.constant 0 : i32
      %dma_start3A_73 = arith.constant 0 : i32
      %dma_start3A_74 = arith.constant 0 : i32
      %dma_start3A_75 = arith.constant 0 : i32
      %dma_start3A_76 = tpu.memref_slice %arg7[%rem3A_63, %dma_start3A_73, %dma_start3A_74, %dma_start3A_75] : memref<2x2x128x32xf32, #tpu.memory_space<vmem>> -> memref<1x1x128x32xf32, #tpu.memory_space<vmem>>
      %dma_start3A_77 = tpu.memref_squeeze %dma_start3A_76 : memref<1x1x128x32xf32, #tpu.memory_space<vmem>> -> memref<128x32xf32, #tpu.memory_space<vmem>>
      %dma_start3A_78 = arith.constant 0 : i32
      %dma_start3A_79 = tpu.memref_slice %arg6[%rem3A_63, %dma_start3A, %dma_start3A_72, %dma_start3A_78] : memref<2x2x2x128xi32, #tpu.memory_space<vmem>> -> memref<1x1x1x128xi32, #tpu.memory_space<vmem>>
      %dma_start3A_80 = tpu.memref_squeeze %dma_start3A_79 : memref<1x1x1x128xi32, #tpu.memory_space<vmem>> -> memref<128xi32, #tpu.memory_space<vmem>>
      %dma_start3A_81 = arith.constant 0 : i32
      %dma_start3A_82 = arith.constant 0 : i32
      %dma_start3A_83 = tpu.memref_slice %arg2[%dma_start3A_81, %dma_start3A_82] : memref<100000x32xf32, #tpu.memory_space<hbm>> -> memref<100000x32xf32, #tpu.memory_space<hbm>>
      tpu.enqueue_indirect_dma source(%dma_start3A_83 : memref<100000x32xf32, #tpu.memory_space<hbm>>) target(%dma_start3A_77 : memref<128x32xf32, #tpu.memory_space<vmem>>) offsets(%dma_start3A_80 : memref<128xi32, #tpu.memory_space<vmem>>) semaphore(%arg8 : memref<!tpu.dma_semaphore, #tpu.memory_space<semaphore_mem>>)
      %dma_start3A_84 = arith.constant 1 : i32
      %dma_start3A_85 = arith.constant 0 : i32
      %dma_start3A_86 = arith.constant 1 : i32
      %dma_start3A_87 = arith.constant 0 : i32
      %dma_start3A_88 = arith.constant 0 : i32
      %dma_start3A_89 = tpu.memref_slice %arg7[%rem3A_63, %dma_start3A_86, %dma_start3A_87, %dma_start3A_88] : memref<2x2x128x32xf32, #tpu.memory_space<vmem>> -> memref<1x1x128x32xf32, #tpu.memory_space<vmem>>
      %dma_start3A_90 = tpu.memref_squeeze %dma_start3A_89 : memref<1x1x128x32xf32, #tpu.memory_space<vmem>> -> memref<128x32xf32, #tpu.memory_space<vmem>>
      %dma_start3A_91 = arith.constant 0 : i32
      %dma_start3A_92 = tpu.memref_slice %arg6[%rem3A_63, %dma_start3A_84, %dma_start3A_85, %dma_start3A_91] : memref<2x2x2x128xi32, #tpu.memory_space<vmem>> -> memref<1x1x1x128xi32, #tpu.memory_space<vmem>>
      %dma_start3A_93 = tpu.memref_squeeze %dma_start3A_92 : memref<1x1x1x128xi32, #tpu.memory_space<vmem>> -> memref<128xi32, #tpu.memory_space<vmem>>
      %dma_start3A_94 = arith.constant 0 : i32
      %dma_start3A_95 = arith.constant 0 : i32
      %dma_start3A_96 = tpu.memref_slice %arg2[%dma_start3A_94, %dma_start3A_95] : memref<100000x32xf32, #tpu.memory_space<hbm>> -> memref<100000x32xf32, #tpu.memory_space<hbm>>
      tpu.enqueue_indirect_dma source(%dma_start3A_96 : memref<100000x32xf32, #tpu.memory_space<hbm>>) target(%dma_start3A_90 : memref<128x32xf32, #tpu.memory_space<vmem>>) offsets(%dma_start3A_93 : memref<128xi32, #tpu.memory_space<vmem>>) semaphore(%arg8 : memref<!tpu.dma_semaphore, #tpu.memory_space<semaphore_mem>>)
      %dma_wait3A_97 = arith.constant 0 : i32
      %dma_wait3A_98 = arith.constant 0 : i32
      %dma_wait3A_99 = arith.constant 0 : i32
      %dma_wait3A_100 = arith.constant 0 : i32
      %dma_wait3A_101 = arith.constant 0 : i32
      %dma_wait3A_102 = tpu.memref_slice %arg7[%rem3A_63, %dma_wait3A_99, %dma_wait3A_100, %dma_wait3A_101] : memref<2x2x128x32xf32, #tpu.memory_space<vmem>> -> memref<1x1x128x32xf32, #tpu.memory_space<vmem>>
      %dma_wait3A_103 = tpu.memref_squeeze %dma_wait3A_102 : memref<1x1x128x32xf32, #tpu.memory_space<vmem>> -> memref<128x32xf32, #tpu.memory_space<vmem>>
      %dma_wait3A_104 = arith.constant 0 : i32
      %dma_wait3A_105 = tpu.memref_slice %arg6[%rem3A_63, %dma_wait3A_97, %dma_wait3A_98, %dma_wait3A_104] : memref<2x2x2x128xi32, #tpu.memory_space<vmem>> -> memref<1x1x1x128xi32, #tpu.memory_space<vmem>>
      %dma_wait3A_106 = tpu.memref_squeeze %dma_wait3A_105 : memref<1x1x1x128xi32, #tpu.memory_space<vmem>> -> memref<128xi32, #tpu.memory_space<vmem>>
      %dma_wait3A_107 = arith.constant 0 : i32
      %dma_wait3A_108 = arith.constant 0 : i32
      %dma_wait3A_109 = tpu.memref_slice %arg2[%dma_wait3A_107, %dma_wait3A_108] : memref<100000x32xf32, #tpu.memory_space<hbm>> -> memref<100000x32xf32, #tpu.memory_space<hbm>>
      tpu.wait_indirect_dma semaphore(%arg8 : memref<!tpu.dma_semaphore, #tpu.memory_space<semaphore_mem>>) src(%dma_wait3A_109 : memref<100000x32xf32, #tpu.memory_space<hbm>>) dst(%dma_wait3A_103 : memref<128x32xf32, #tpu.memory_space<vmem>>)
      %dma_wait3A_110 = arith.constant 1 : i32
      %dma_wait3A_111 = arith.constant 0 : i32
      %dma_wait3A_112 = arith.constant 1 : i32
      %dma_wait3A_113 = arith.constant 0 : i32
      %dma_wait3A_114 = arith.constant 0 : i32
      %dma_wait3A_115 = tpu.memref_slice %arg7[%rem3A_63, %dma_wait3A_112, %dma_wait3A_113, %dma_wait3A_114] : memref<2x2x128x32xf32, #tpu.memory_space<vmem>> -> memref<1x1x128x32xf32, #tpu.memory_space<vmem>>
      %dma_wait3A_116 = tpu.memref_squeeze %dma_wait3A_115 : memref<1x1x128x32xf32, #tpu.memory_space<vmem>> -> memref<128x32xf32, #tpu.memory_space<vmem>>
      %dma_wait3A_117 = arith.constant 0 : i32
      %dma_wait3A_118 = tpu.memref_slice %arg6[%rem3A_63, %dma_wait3A_110, %dma_wait3A_111, %dma_wait3A_117] : memref<2x2x2x128xi32, #tpu.memory_space<vmem>> -> memref<1x1x1x128xi32, #tpu.memory_space<vmem>>
      %dma_wait3A_119 = tpu.memref_squeeze %dma_wait3A_118 : memref<1x1x1x128xi32, #tpu.memory_space<vmem>> -> memref<128xi32, #tpu.memory_space<vmem>>
      %dma_wait3A_120 = arith.constant 0 : i32
      %dma_wait3A_121 = arith.constant 0 : i32
      %dma_wait3A_122 = tpu.memref_slice %arg2[%dma_wait3A_120, %dma_wait3A_121] : memref<100000x32xf32, #tpu.memory_space<hbm>> -> memref<100000x32xf32, #tpu.memory_space<hbm>>
      tpu.wait_indirect_dma semaphore(%arg8 : memref<!tpu.dma_semaphore, #tpu.memory_space<semaphore_mem>>) src(%dma_wait3A_122 : memref<100000x32xf32, #tpu.memory_space<hbm>>) dst(%dma_wait3A_116 : memref<128x32xf32, #tpu.memory_space<vmem>>)
      %dma_start3A_123 = arith.constant 0 : i32
      %dma_start3A_124 = arith.constant 0 : i32
      %dma_start3A_125 = arith.constant 1 : i32
      %dma_start3A_126 = arith.constant 0 : i32
      %dma_start3A_127 = arith.constant 0 : i32
      %dma_start3A_128 = tpu.memref_slice %arg7[%rem3A_63, %dma_start3A_123, %dma_start3A_126, %dma_start3A_127] : memref<2x2x128x32xf32, #tpu.memory_space<vmem>> -> memref<1x1x128x32xf32, #tpu.memory_space<vmem>>
      %dma_start3A_129 = tpu.memref_squeeze %dma_start3A_128 : memref<1x1x128x32xf32, #tpu.memory_space<vmem>> -> memref<128x32xf32, #tpu.memory_space<vmem>>
      %dma_start3A_130 = arith.constant 0 : i32
      %dma_start3A_131 = tpu.memref_slice %arg6[%rem3A_63, %dma_start3A_124, %dma_start3A_125, %dma_start3A_130] : memref<2x2x2x128xi32, #tpu.memory_space<vmem>> -> memref<1x1x1x128xi32, #tpu.memory_space<vmem>>
      %dma_start3A_132 = tpu.memref_squeeze %dma_start3A_131 : memref<1x1x1x128xi32, #tpu.memory_space<vmem>> -> memref<128xi32, #tpu.memory_space<vmem>>
      %dma_start3A_133 = arith.constant 0 : i32
      %dma_start3A_134 = arith.constant 0 : i32
      %dma_start3A_135 = tpu.memref_slice %arg5[%dma_start3A_133, %dma_start3A_134] : memref<50176x32xf32, #tpu.memory_space<vmem_shared>> -> memref<50176x32xf32, #tpu.memory_space<vmem_shared>>
      tpu.enqueue_indirect_dma source(%dma_start3A_129 : memref<128x32xf32, #tpu.memory_space<vmem>>) target(%dma_start3A_135 : memref<50176x32xf32, #tpu.memory_space<vmem_shared>>) offsets(%dma_start3A_132 : memref<128xi32, #tpu.memory_space<vmem>>) semaphore(%arg9 : memref<!tpu.dma_semaphore, #tpu.memory_space<semaphore_mem>>) {add = true}
      %dma_start3A_136 = arith.constant 1 : i32
      %dma_start3A_137 = arith.constant 1 : i32
      %dma_start3A_138 = arith.constant 1 : i32
      %dma_start3A_139 = arith.constant 0 : i32
      %dma_start3A_140 = arith.constant 0 : i32
      %dma_start3A_141 = tpu.memref_slice %arg7[%rem3A_63, %dma_start3A_136, %dma_start3A_139, %dma_start3A_140] : memref<2x2x128x32xf32, #tpu.memory_space<vmem>> -> memref<1x1x128x32xf32, #tpu.memory_space<vmem>>
      %dma_start3A_142 = tpu.memref_squeeze %dma_start3A_141 : memref<1x1x128x32xf32, #tpu.memory_space<vmem>> -> memref<128x32xf32, #tpu.memory_space<vmem>>
      %dma_start3A_143 = arith.constant 0 : i32
      %dma_start3A_144 = tpu.memref_slice %arg6[%rem3A_63, %dma_start3A_137, %dma_start3A_138, %dma_start3A_143] : memref<2x2x2x128xi32, #tpu.memory_space<vmem>> -> memref<1x1x1x128xi32, #tpu.memory_space<vmem>>
      %dma_start3A_145 = tpu.memref_squeeze %dma_start3A_144 : memref<1x1x1x128xi32, #tpu.memory_space<vmem>> -> memref<128xi32, #tpu.memory_space<vmem>>
      %dma_start3A_146 = arith.constant 0 : i32
      %dma_start3A_147 = arith.constant 0 : i32
      %dma_start3A_148 = tpu.memref_slice %arg5[%dma_start3A_146, %dma_start3A_147] : memref<50176x32xf32, #tpu.memory_space<vmem_shared>> -> memref<50176x32xf32, #tpu.memory_space<vmem_shared>>
      tpu.enqueue_indirect_dma source(%dma_start3A_142 : memref<128x32xf32, #tpu.memory_space<vmem>>) target(%dma_start3A_148 : memref<50176x32xf32, #tpu.memory_space<vmem_shared>>) offsets(%dma_start3A_145 : memref<128xi32, #tpu.memory_space<vmem>>) semaphore(%arg9 : memref<!tpu.dma_semaphore, #tpu.memory_space<semaphore_mem>>) {add = true}
    }
    %scan3A_22 = arith.constant 196 : i32
    %dma_wait3A = arith.constant 1 : i32
    %dma_wait3A_23 = arith.constant 0 : i32
    %dma_wait3A_24 = arith.constant 1 : i32
    %dma_wait3A_25 = arith.constant 0 : i32
    %dma_wait3A_26 = arith.constant 1 : i32
    %dma_wait3A_27 = arith.constant 0 : i32
    %dma_wait3A_28 = arith.constant 0 : i32
    %dma_wait3A_29 = tpu.memref_slice %arg7[%dma_wait3A, %dma_wait3A_23, %dma_wait3A_27, %dma_wait3A_28] : memref<2x2x128x32xf32, #tpu.memory_space<vmem>> -> memref<1x1x128x32xf32, #tpu.memory_space<vmem>>
    %dma_wait3A_30 = tpu.memref_squeeze %dma_wait3A_29 : memref<1x1x128x32xf32, #tpu.memory_space<vmem>> -> memref<128x32xf32, #tpu.memory_space<vmem>>
    %dma_wait3A_31 = arith.constant 0 : i32
    %dma_wait3A_32 = tpu.memref_slice %arg6[%dma_wait3A_24, %dma_wait3A_25, %dma_wait3A_26, %dma_wait3A_31] : memref<2x2x2x128xi32, #tpu.memory_space<vmem>> -> memref<1x1x1x128xi32, #tpu.memory_space<vmem>>
    %dma_wait3A_33 = tpu.memref_squeeze %dma_wait3A_32 : memref<1x1x1x128xi32, #tpu.memory_space<vmem>> -> memref<128xi32, #tpu.memory_space<vmem>>
    %dma_wait3A_34 = arith.constant 0 : i32
    %dma_wait3A_35 = arith.constant 0 : i32
    %dma_wait3A_36 = tpu.memref_slice %arg5[%dma_wait3A_34, %dma_wait3A_35] : memref<50176x32xf32, #tpu.memory_space<vmem_shared>> -> memref<50176x32xf32, #tpu.memory_space<vmem_shared>>
    tpu.wait_indirect_dma semaphore(%arg9 : memref<!tpu.dma_semaphore, #tpu.memory_space<semaphore_mem>>) src(%dma_wait3A_30 : memref<128x32xf32, #tpu.memory_space<vmem>>) dst(%dma_wait3A_36 : memref<50176x32xf32, #tpu.memory_space<vmem_shared>>)
    %dma_wait3A_37 = arith.constant 1 : i32
    %dma_wait3A_38 = arith.constant 1 : i32
    %dma_wait3A_39 = arith.constant 1 : i32
    %dma_wait3A_40 = arith.constant 1 : i32
    %dma_wait3A_41 = arith.constant 1 : i32
    %dma_wait3A_42 = arith.constant 0 : i32
    %dma_wait3A_43 = arith.constant 0 : i32
    %dma_wait3A_44 = tpu.memref_slice %arg7[%dma_wait3A_37, %dma_wait3A_38, %dma_wait3A_42, %dma_wait3A_43] : memref<2x2x128x32xf32, #tpu.memory_space<vmem>> -> memref<1x1x128x32xf32, #tpu.memory_space<vmem>>
    %dma_wait3A_45 = tpu.memref_squeeze %dma_wait3A_44 : memref<1x1x128x32xf32, #tpu.memory_space<vmem>> -> memref<128x32xf32, #tpu.memory_space<vmem>>
    %dma_wait3A_46 = arith.constant 0 : i32
    %dma_wait3A_47 = tpu.memref_slice %arg6[%dma_wait3A_39, %dma_wait3A_40, %dma_wait3A_41, %dma_wait3A_46] : memref<2x2x2x128xi32, #tpu.memory_space<vmem>> -> memref<1x1x1x128xi32, #tpu.memory_space<vmem>>
    %dma_wait3A_48 = tpu.memref_squeeze %dma_wait3A_47 : memref<1x1x1x128xi32, #tpu.memory_space<vmem>> -> memref<128xi32, #tpu.memory_space<vmem>>
    %dma_wait3A_49 = arith.constant 0 : i32
    %dma_wait3A_50 = arith.constant 0 : i32
    %dma_wait3A_51 = tpu.memref_slice %arg5[%dma_wait3A_49, %dma_wait3A_50] : memref<50176x32xf32, #tpu.memory_space<vmem_shared>> -> memref<50176x32xf32, #tpu.memory_space<vmem_shared>>
    tpu.wait_indirect_dma semaphore(%arg9 : memref<!tpu.dma_semaphore, #tpu.memory_space<semaphore_mem>>) src(%dma_wait3A_45 : memref<128x32xf32, #tpu.memory_space<vmem>>) dst(%dma_wait3A_51 : memref<50176x32xf32, #tpu.memory_space<vmem_shared>>)
    %barrier3A_52 = arith.constant 0 : index
    tpu.barrier barrier_id(%barrier3A_52)
    %mul3A_53 = arith.constant 3136 : i32
    %mul3A_54 = arith.muli %arg1, %mul3A_53 : i32
    %multiple_of3A_55 = tpu.assume_multiple %mul3A_54, 8 : i32
    %lt3A = arith.constant 15 : i32
    %lt3A_56 = arith.cmpi slt, %arg1, %lt3A : i32
    %convert_element_type3A = arith.extui %lt3A_56 : i1 to i32
    %cond3A = arith.constant 0 : i32
    %cond3A_57 = arith.cmpi ne, %convert_element_type3A, %cond3A : i32
    scf.if %cond3A_57 {
      "tpu.region"() ({
        %run_scoped3A_62 = tpu.sem_alloc : memref<!tpu.dma_semaphore, #tpu.memory_space<semaphore_mem>>
        %dma_start3A = arith.constant 0 : i32
        %dma_start3A_63 = tpu.memref_slice %arg4[%arg0, %multiple_of3A_55, %dma_start3A] : memref<2x50000x32xf32, #tpu.memory_space<hbm>> -> memref<1x3136x32xf32, #tpu.memory_space<hbm>>
        %dma_start3A_64 = tpu.memref_squeeze %dma_start3A_63 : memref<1x3136x32xf32, #tpu.memory_space<hbm>> -> memref<3136x32xf32, #tpu.memory_space<hbm>>
        %dma_start3A_65 = arith.constant 0 : i32
        %dma_start3A_66 = tpu.memref_slice %arg5[%multiple_of3A_55, %dma_start3A_65] : memref<50176x32xf32, #tpu.memory_space<vmem_shared>> -> memref<3136x32xf32, #tpu.memory_space<vmem_shared>>
        tpu.enqueue_dma source(%dma_start3A_66 : memref<3136x32xf32, #tpu.memory_space<vmem_shared>>) target(%dma_start3A_64 : memref<3136x32xf32, #tpu.memory_space<hbm>>) target_semaphore(%run_scoped3A_62 : memref<!tpu.dma_semaphore, #tpu.memory_space<semaphore_mem>>)
        %dma_wait3A_67 = arith.constant 0 : i32
        %dma_wait3A_68 = tpu.memref_slice %arg4[%arg0, %multiple_of3A_55, %dma_wait3A_67] : memref<2x50000x32xf32, #tpu.memory_space<hbm>> -> memref<1x3136x32xf32, #tpu.memory_space<hbm>>
        %dma_wait3A_69 = tpu.memref_squeeze %dma_wait3A_68 : memref<1x3136x32xf32, #tpu.memory_space<hbm>> -> memref<3136x32xf32, #tpu.memory_space<hbm>>
        %dma_wait3A_70 = arith.constant 0 : i32
        %dma_wait3A_71 = tpu.memref_slice %arg5[%multiple_of3A_55, %dma_wait3A_70] : memref<50176x32xf32, #tpu.memory_space<vmem_shared>> -> memref<3136x32xf32, #tpu.memory_space<vmem_shared>>
        tpu.wait_dma2 semaphore(%run_scoped3A_62 : memref<!tpu.dma_semaphore, #tpu.memory_space<semaphore_mem>>) src(%dma_wait3A_71 : memref<3136x32xf32, #tpu.memory_space<vmem_shared>>) dst(%dma_wait3A_69 : memref<3136x32xf32, #tpu.memory_space<hbm>>)
        tpu.yield
      }) : () -> ()
    } else {
    }
    %eq3A = arith.constant 15 : i32
    %eq3A_58 = arith.cmpi eq, %arg1, %eq3A : i32
    %convert_element_type3A_59 = arith.extui %eq3A_58 : i1 to i32
    %cond3A_60 = arith.constant 0 : i32
    %cond3A_61 = arith.cmpi ne, %convert_element_type3A_59, %cond3A_60 : i32
    scf.if %cond3A_61 {
      "tpu.region"() ({
        %run_scoped3A_62 = tpu.sem_alloc : memref<!tpu.dma_semaphore, #tpu.memory_space<semaphore_mem>>
        %dma_start3A = arith.constant 0 : i32
        %dma_start3A_63 = tpu.memref_slice %arg4[%arg0, %multiple_of3A_55, %dma_start3A] : memref<2x50000x32xf32, #tpu.memory_space<hbm>> -> memref<1x2960x32xf32, #tpu.memory_space<hbm>>
        %dma_start3A_64 = tpu.memref_squeeze %dma_start3A_63 : memref<1x2960x32xf32, #tpu.memory_space<hbm>> -> memref<2960x32xf32, #tpu.memory_space<hbm>>
        %dma_start3A_65 = arith.constant 0 : i32
        %dma_start3A_66 = tpu.memref_slice %arg5[%multiple_of3A_55, %dma_start3A_65] : memref<50176x32xf32, #tpu.memory_space<vmem_shared>> -> memref<2960x32xf32, #tpu.memory_space<vmem_shared>>
        tpu.enqueue_dma source(%dma_start3A_66 : memref<2960x32xf32, #tpu.memory_space<vmem_shared>>) target(%dma_start3A_64 : memref<2960x32xf32, #tpu.memory_space<hbm>>) target_semaphore(%run_scoped3A_62 : memref<!tpu.dma_semaphore, #tpu.memory_space<semaphore_mem>>)
        %dma_wait3A_67 = arith.constant 0 : i32
        %dma_wait3A_68 = tpu.memref_slice %arg4[%arg0, %multiple_of3A_55, %dma_wait3A_67] : memref<2x50000x32xf32, #tpu.memory_space<hbm>> -> memref<1x2960x32xf32, #tpu.memory_space<hbm>>
        %dma_wait3A_69 = tpu.memref_squeeze %dma_wait3A_68 : memref<1x2960x32xf32, #tpu.memory_space<hbm>> -> memref<2960x32xf32, #tpu.memory_space<hbm>>
        %dma_wait3A_70 = arith.constant 0 : i32
        %dma_wait3A_71 = tpu.memref_slice %arg5[%multiple_of3A_55, %dma_wait3A_70] : memref<50176x32xf32, #tpu.memory_space<vmem_shared>> -> memref<2960x32xf32, #tpu.memory_space<vmem_shared>>
        tpu.wait_dma2 semaphore(%run_scoped3A_62 : memref<!tpu.dma_semaphore, #tpu.memory_space<semaphore_mem>>) src(%dma_wait3A_71 : memref<2960x32xf32, #tpu.memory_space<vmem_shared>>) dst(%dma_wait3A_69 : memref<2960x32xf32, #tpu.memory_space<hbm>>)
        tpu.yield
      }) : () -> ()
    } else {
    }
    return
  }
}

module attributes {stable_mosaic.version = 14 : i64} {
  func.func @_init_body(%arg0: i32, %arg1: memref<2000x4xf32, #tpu.memory_space<vmem>>, %arg2: memref<4x100xf32, #tpu.memory_space<vmem>>, %arg3: memref<1x100xf32, #tpu.memory_space<vmem>>, %arg4: memref<100x32xf32, #tpu.memory_space<vmem>>, %arg5: memref<100x32xf32, #tpu.memory_space<vmem>>, %arg6: memref<1x32xf32, #tpu.memory_space<vmem>>, %arg7: memref<1x32xf32, #tpu.memory_space<vmem>>, %arg8: memref<2000x100xf32, #tpu.memory_space<vmem>>, %arg9: memref<2x2000x32xf32, #tpu.memory_space<vmem>>) attributes {dimension_semantics = [#tpu.dimension_semantics<arbitrary>], iteration_bounds = array<i64: 25>, scalar_prefetch = 0 : i64, scratch_operands = 0 : i64, tpu.core_type = #tpu.core_type<tc>, window_params = [{transform_indices = @transform_0, window_bounds = array<i64: 2000, 4>}, {pipeline_mode = #tpu.pipeline_mode<synchronous>, transform_indices = @transform_1, window_bounds = array<i64: 4, 100>}, {pipeline_mode = #tpu.pipeline_mode<synchronous>, transform_indices = @transform_2, window_bounds = array<i64: 1, 100>}, {pipeline_mode = #tpu.pipeline_mode<synchronous>, transform_indices = @transform_3, window_bounds = array<i64: 100, 32>}, {pipeline_mode = #tpu.pipeline_mode<synchronous>, transform_indices = @transform_4, window_bounds = array<i64: 100, 32>}, {pipeline_mode = #tpu.pipeline_mode<synchronous>, transform_indices = @transform_5, window_bounds = array<i64: 1, 32>}, {pipeline_mode = #tpu.pipeline_mode<synchronous>, transform_indices = @transform_6, window_bounds = array<i64: 1, 32>}, {transform_indices = @transform_7, window_bounds = array<i64: 2000, 100>}, {transform_indices = @transform_8, window_bounds = array<i64: 2, 2000, 32>}]} {
    %get3A = arith.constant 0 : index
    %get3A_0 = arith.constant 0 : index
    %get3A_1 = vector.load %arg1[%get3A, %get3A_0] : memref<2000x4xf32, #tpu.memory_space<vmem>>, vector<2000x4xf32>
    %get3A_2 = arith.constant 0 : index
    %get3A_3 = arith.constant 0 : index
    %get3A_4 = vector.load %arg2[%get3A_2, %get3A_3] : memref<4x100xf32, #tpu.memory_space<vmem>>, vector<4x100xf32>
    %dot_general3A = arith.constant dense<0.000000e+00> : vector<2000x100xf32>
    %dot_general3A_5 = tpu.matmul %get3A_1, %get3A_4, %dot_general3A {dimension_numbers = #tpu.dot_dimension_numbers<[1], [0], [0], [1], [0, 0, 1, 1], [], []>, precision = #tpu.contract_precision<fp32>, transpose_lhs_hint = false} : vector<2000x4xf32>, vector<4x100xf32>, vector<2000x100xf32> -> vector<2000x100xf32>
    %get3A_6 = arith.constant 0 : index
    %get3A_7 = arith.constant 0 : index
    %get3A_8 = vector.load %arg3[%get3A_6, %get3A_7] : memref<1x100xf32, #tpu.memory_space<vmem>>, vector<1x100xf32>
    %add3A = vector.broadcast %get3A_8 : vector<1x100xf32> to vector<2000x100xf32>
    %add3A_9 = arith.addf %dot_general3A_5, %add3A : vector<2000x100xf32>
    %swap3A = arith.constant 0 : index
    %swap3A_10 = arith.constant 0 : index
    %swap3A_11 = vector.load %arg8[%swap3A, %swap3A_10] : memref<2000x100xf32, #tpu.memory_space<vmem>>, vector<2000x100xf32>
    tpu.vector_store %arg8[%swap3A, %swap3A_10], %add3A_9 {strides = array<i32>} : memref<2000x100xf32, #tpu.memory_space<vmem>>, vector<2000x100xf32>,
    %get3A_12 = arith.constant 0 : index
    %get3A_13 = arith.constant 0 : index
    %get3A_14 = vector.load %arg4[%get3A_12, %get3A_13] : memref<100x32xf32, #tpu.memory_space<vmem>>, vector<100x32xf32>
    %dot_general3A_15 = arith.constant dense<0.000000e+00> : vector<2000x32xf32>
    %dot_general3A_16 = tpu.matmul %add3A_9, %get3A_14, %dot_general3A_15 {dimension_numbers = #tpu.dot_dimension_numbers<[1], [0], [0], [1], [0, 0, 1, 1], [], []>, precision = #tpu.contract_precision<fp32>, transpose_lhs_hint = false} : vector<2000x100xf32>, vector<100x32xf32>, vector<2000x32xf32> -> vector<2000x32xf32>
    %get3A_17 = arith.constant 0 : index
    %get3A_18 = arith.constant 0 : index
    %get3A_19 = vector.load %arg6[%get3A_17, %get3A_18] : memref<1x32xf32, #tpu.memory_space<vmem>>, vector<1x32xf32>
    %add3A_20 = vector.broadcast %get3A_19 : vector<1x32xf32> to vector<2000x32xf32>
    %add3A_21 = arith.addf %dot_general3A_16, %add3A_20 : vector<2000x32xf32>
    %max3A = arith.constant 0.000000e+00 : f32
    %max3A_22 = vector.broadcast %max3A : f32 to vector<2000x32xf32>
    %max3A_23 = arith.maximumf %add3A_21, %max3A_22 : vector<2000x32xf32>
    %swap3A_24 = arith.constant 0 : index
    %swap3A_25 = arith.constant 0 : index
    %swap3A_26 = arith.constant 0 : index
    %swap3A_27 = vector.load %arg9[%swap3A_24, %swap3A_25, %swap3A_26] : memref<2x2000x32xf32, #tpu.memory_space<vmem>>, vector<1x2000x32xf32>
    %swap3A_28 = vector.shape_cast %swap3A_27 : vector<1x2000x32xf32> to vector<2000x32xf32>
    %swap3A_29 = vector.shape_cast %max3A_23 : vector<2000x32xf32> to vector<1x2000x32xf32>
    tpu.vector_store %arg9[%swap3A_24, %swap3A_25, %swap3A_26], %swap3A_29 {strides = array<i32>} : memref<2x2000x32xf32, #tpu.memory_space<vmem>>, vector<1x2000x32xf32>,
    %get3A_30 = arith.constant 0 : index
    %get3A_31 = arith.constant 0 : index
    %get3A_32 = vector.load %arg5[%get3A_30, %get3A_31] : memref<100x32xf32, #tpu.memory_space<vmem>>, vector<100x32xf32>
    %dot_general3A_33 = arith.constant dense<0.000000e+00> : vector<2000x32xf32>
    %dot_general3A_34 = tpu.matmul %add3A_9, %get3A_32, %dot_general3A_33 {dimension_numbers = #tpu.dot_dimension_numbers<[1], [0], [0], [1], [0, 0, 1, 1], [], []>, precision = #tpu.contract_precision<fp32>, transpose_lhs_hint = false} : vector<2000x100xf32>, vector<100x32xf32>, vector<2000x32xf32> -> vector<2000x32xf32>
    %get3A_35 = arith.constant 0 : index
    %get3A_36 = arith.constant 0 : index
    %get3A_37 = vector.load %arg7[%get3A_35, %get3A_36] : memref<1x32xf32, #tpu.memory_space<vmem>>, vector<1x32xf32>
    %add3A_38 = vector.broadcast %get3A_37 : vector<1x32xf32> to vector<2000x32xf32>
    %add3A_39 = arith.addf %dot_general3A_34, %add3A_38 : vector<2000x32xf32>
    %max3A_40 = arith.constant 0.000000e+00 : f32
    %max3A_41 = vector.broadcast %max3A_40 : f32 to vector<2000x32xf32>
    %max3A_42 = arith.maximumf %add3A_39, %max3A_41 : vector<2000x32xf32>
    %swap3A_43 = arith.constant 1 : index
    %swap3A_44 = arith.constant 0 : index
    %swap3A_45 = arith.constant 0 : index
    %swap3A_46 = vector.load %arg9[%swap3A_43, %swap3A_44, %swap3A_45] : memref<2x2000x32xf32, #tpu.memory_space<vmem>>, vector<1x2000x32xf32>
    %swap3A_47 = vector.shape_cast %swap3A_46 : vector<1x2000x32xf32> to vector<2000x32xf32>
    %swap3A_48 = vector.shape_cast %max3A_42 : vector<2000x32xf32> to vector<1x2000x32xf32>
    tpu.vector_store %arg9[%swap3A_43, %swap3A_44, %swap3A_45], %swap3A_48 {strides = array<i32>} : memref<2x2000x32xf32, #tpu.memory_space<vmem>>, vector<1x2000x32xf32>,
    return
  }
  func.func @transform_0(%arg0: i32) -> (i32, i32) {
    %c0_i32 = arith.constant 0 : i32
    %c0_i32_0 = arith.constant 0 : i32
    return %arg0, %c0_i32 : i32, i32
  }
  func.func @transform_1(%arg0: i32) -> (i32, i32) {
    %c0_i32 = arith.constant 0 : i32
    %c0_i32_0 = arith.constant 0 : i32
    %c0_i32_1 = arith.constant 0 : i32
    return %c0_i32, %c0_i32_0 : i32, i32
  }
  func.func @transform_2(%arg0: i32) -> (i32, i32) {
    %c0_i32 = arith.constant 0 : i32
    %c0_i32_0 = arith.constant 0 : i32
    %c0_i32_1 = arith.constant 0 : i32
    return %c0_i32, %c0_i32_0 : i32, i32
  }
  func.func @transform_3(%arg0: i32) -> (i32, i32) {
    %c0_i32 = arith.constant 0 : i32
    %c0_i32_0 = arith.constant 0 : i32
    %c0_i32_1 = arith.constant 0 : i32
    return %c0_i32, %c0_i32_0 : i32, i32
  }
  func.func @transform_4(%arg0: i32) -> (i32, i32) {
    %c0_i32 = arith.constant 0 : i32
    %c0_i32_0 = arith.constant 0 : i32
    %c0_i32_1 = arith.constant 0 : i32
    return %c0_i32, %c0_i32_0 : i32, i32
  }
  func.func @transform_5(%arg0: i32) -> (i32, i32) {
    %c0_i32 = arith.constant 0 : i32
    %c0_i32_0 = arith.constant 0 : i32
    %c0_i32_1 = arith.constant 0 : i32
    return %c0_i32, %c0_i32_0 : i32, i32
  }
  func.func @transform_6(%arg0: i32) -> (i32, i32) {
    %c0_i32 = arith.constant 0 : i32
    %c0_i32_0 = arith.constant 0 : i32
    %c0_i32_1 = arith.constant 0 : i32
    return %c0_i32, %c0_i32_0 : i32, i32
  }
  func.func @transform_7(%arg0: i32) -> (i32, i32) {
    %c0_i32 = arith.constant 0 : i32
    %c0_i32_0 = arith.constant 0 : i32
    return %arg0, %c0_i32 : i32, i32
  }
  func.func @transform_8(%arg0: i32) -> (i32, i32, i32) {
    %c0_i32 = arith.constant 0 : i32
    %c0_i32_0 = arith.constant 0 : i32
    %c0_i32_1 = arith.constant 0 : i32
    return %c0_i32, %arg0, %c0_i32_0 : i32, i32, i32
  }
}

module attributes {stable_mosaic.version = 14 : i64} {
  func.func @_upd_body(%arg0: i32, %arg1: memref<2x2000x32xf32, #tpu.memory_space<vmem>>, %arg2: memref<2000x100xf32, #tpu.memory_space<vmem>>, %arg3: memref<32x100xf32, #tpu.memory_space<vmem>>, %arg4: memref<32x100xf32, #tpu.memory_space<vmem>>, %arg5: memref<32x100xf32, #tpu.memory_space<vmem>>, %arg6: memref<32x100xf32, #tpu.memory_space<vmem>>, %arg7: memref<32x100xf32, #tpu.memory_space<vmem>>, %arg8: memref<32x100xf32, #tpu.memory_space<vmem>>, %arg9: memref<100x100xf32, #tpu.memory_space<vmem>>, %arg10: memref<100x100xf32, #tpu.memory_space<vmem>>, %arg11: memref<100x100xf32, #tpu.memory_space<vmem>>, %arg12: memref<1x100xf32, #tpu.memory_space<vmem>>, %arg13: memref<1x100xf32, #tpu.memory_space<vmem>>, %arg14: memref<1x100xf32, #tpu.memory_space<vmem>>, %arg15: memref<1x100xf32, #tpu.memory_space<vmem>>, %arg16: memref<100x32xf32, #tpu.memory_space<vmem>>, %arg17: memref<100x32xf32, #tpu.memory_space<vmem>>, %arg18: memref<1x32xf32, #tpu.memory_space<vmem>>, %arg19: memref<1x32xf32, #tpu.memory_space<vmem>>, %arg20: memref<2000x100xf32, #tpu.memory_space<vmem>>, %arg21: memref<2x2000x32xf32, #tpu.memory_space<vmem>>) attributes {dimension_semantics = [#tpu.dimension_semantics<arbitrary>], iteration_bounds = array<i64: 25>, scalar_prefetch = 0 : i64, scratch_operands = 0 : i64, tpu.core_type = #tpu.core_type<tc>, window_params = [{transform_indices = @transform_0, window_bounds = array<i64: 2, 2000, 32>}, {transform_indices = @transform_1, window_bounds = array<i64: 2000, 100>}, {pipeline_mode = #tpu.pipeline_mode<synchronous>, transform_indices = @transform_2, window_bounds = array<i64: 32, 100>}, {pipeline_mode = #tpu.pipeline_mode<synchronous>, transform_indices = @transform_3, window_bounds = array<i64: 32, 100>}, {pipeline_mode = #tpu.pipeline_mode<synchronous>, transform_indices = @transform_4, window_bounds = array<i64: 32, 100>}, {pipeline_mode = #tpu.pipeline_mode<synchronous>, transform_indices = @transform_5, window_bounds = array<i64: 32, 100>}, {pipeline_mode = #tpu.pipeline_mode<synchronous>, transform_indices = @transform_6, window_bounds = array<i64: 32, 100>}, {pipeline_mode = #tpu.pipeline_mode<synchronous>, transform_indices = @transform_7, window_bounds = array<i64: 32, 100>}, {pipeline_mode = #tpu.pipeline_mode<synchronous>, transform_indices = @transform_8, window_bounds = array<i64: 100, 100>}, {pipeline_mode = #tpu.pipeline_mode<synchronous>, transform_indices = @transform_9, window_bounds = array<i64: 100, 100>}, {pipeline_mode = #tpu.pipeline_mode<synchronous>, transform_indices = @transform_10, window_bounds = array<i64: 100, 100>}, {pipeline_mode = #tpu.pipeline_mode<synchronous>, transform_indices = @transform_11, window_bounds = array<i64: 1, 100>}, {pipeline_mode = #tpu.pipeline_mode<synchronous>, transform_indices = @transform_12, window_bounds = array<i64: 1, 100>}, {pipeline_mode = #tpu.pipeline_mode<synchronous>, transform_indices = @transform_13, window_bounds = array<i64: 1, 100>}, {pipeline_mode = #tpu.pipeline_mode<synchronous>, transform_indices = @transform_14, window_bounds = array<i64: 1, 100>}, {pipeline_mode = #tpu.pipeline_mode<synchronous>, transform_indices = @transform_15, window_bounds = array<i64: 100, 32>}, {pipeline_mode = #tpu.pipeline_mode<synchronous>, transform_indices = @transform_16, window_bounds = array<i64: 100, 32>}, {pipeline_mode = #tpu.pipeline_mode<synchronous>, transform_indices = @transform_17, window_bounds = array<i64: 1, 32>}, {pipeline_mode = #tpu.pipeline_mode<synchronous>, transform_indices = @transform_18, window_bounds = array<i64: 1, 32>}, {transform_indices = @transform_19, window_bounds = array<i64: 2000, 100>}, {transform_indices = @transform_20, window_bounds = array<i64: 2, 2000, 32>}]} {
    %get3A = arith.constant 0 : index
    %get3A_0 = arith.constant 0 : index
    %get3A_1 = arith.constant 0 : index
    %get3A_2 = vector.load %arg1[%get3A, %get3A_0, %get3A_1] : memref<2x2000x32xf32, #tpu.memory_space<vmem>>, vector<1x2000x32xf32>
    %get3A_3 = vector.shape_cast %get3A_2 : vector<1x2000x32xf32> to vector<2000x32xf32>
    %get3A_4 = arith.constant 1 : index
    %get3A_5 = arith.constant 0 : index
    %get3A_6 = arith.constant 0 : index
    %get3A_7 = vector.load %arg1[%get3A_4, %get3A_5, %get3A_6] : memref<2x2000x32xf32, #tpu.memory_space<vmem>>, vector<1x2000x32xf32>
    %get3A_8 = vector.shape_cast %get3A_7 : vector<1x2000x32xf32> to vector<2000x32xf32>
    %get3A_9 = arith.constant 0 : index
    %get3A_10 = arith.constant 0 : index
    %get3A_11 = vector.load %arg2[%get3A_9, %get3A_10] : memref<2000x100xf32, #tpu.memory_space<vmem>>, vector<2000x100xf32>
    %get3A_12 = arith.constant 0 : index
    %get3A_13 = arith.constant 0 : index
    %get3A_14 = vector.load %arg3[%get3A_12, %get3A_13] : memref<32x100xf32, #tpu.memory_space<vmem>>, vector<32x100xf32>
    %dot_general3A = arith.constant dense<0.000000e+00> : vector<2000x100xf32>
    %dot_general3A_15 = tpu.matmul %get3A_3, %get3A_14, %dot_general3A {dimension_numbers = #tpu.dot_dimension_numbers<[1], [0], [0], [1], [0, 0, 1, 1], [], []>, precision = #tpu.contract_precision<fp32>, transpose_lhs_hint = false} : vector<2000x32xf32>, vector<32x100xf32>, vector<2000x100xf32> -> vector<2000x100xf32>
    %get3A_16 = arith.constant 0 : index
    %get3A_17 = arith.constant 0 : index
    %get3A_18 = vector.load %arg4[%get3A_16, %get3A_17] : memref<32x100xf32, #tpu.memory_space<vmem>>, vector<32x100xf32>
    %dot_general3A_19 = arith.constant dense<0.000000e+00> : vector<2000x100xf32>
    %dot_general3A_20 = tpu.matmul %get3A_8, %get3A_18, %dot_general3A_19 {dimension_numbers = #tpu.dot_dimension_numbers<[1], [0], [0], [1], [0, 0, 1, 1], [], []>, precision = #tpu.contract_precision<fp32>, transpose_lhs_hint = false} : vector<2000x32xf32>, vector<32x100xf32>, vector<2000x100xf32> -> vector<2000x100xf32>
    %add3A = arith.addf %dot_general3A_15, %dot_general3A_20 : vector<2000x100xf32>
    %get3A_21 = arith.constant 0 : index
    %get3A_22 = arith.constant 0 : index
    %get3A_23 = vector.load %arg9[%get3A_21, %get3A_22] : memref<100x100xf32, #tpu.memory_space<vmem>>, vector<100x100xf32>
    %dot_general3A_24 = arith.constant dense<0.000000e+00> : vector<2000x100xf32>
    %dot_general3A_25 = tpu.matmul %get3A_11, %get3A_23, %dot_general3A_24 {dimension_numbers = #tpu.dot_dimension_numbers<[1], [0], [0], [1], [0, 0, 1, 1], [], []>, precision = #tpu.contract_precision<fp32>, transpose_lhs_hint = false} : vector<2000x100xf32>, vector<100x100xf32>, vector<2000x100xf32> -> vector<2000x100xf32>
    %add3A_26 = arith.addf %add3A, %dot_general3A_25 : vector<2000x100xf32>
    %get3A_27 = arith.constant 0 : index
    %get3A_28 = arith.constant 0 : index
    %get3A_29 = vector.load %arg12[%get3A_27, %get3A_28] : memref<1x100xf32, #tpu.memory_space<vmem>>, vector<1x100xf32>
    %add3A_30 = vector.broadcast %get3A_29 : vector<1x100xf32> to vector<2000x100xf32>
    %add3A_31 = arith.addf %add3A_26, %add3A_30 : vector<2000x100xf32>
    %get3A_32 = arith.constant 0 : index
    %get3A_33 = arith.constant 0 : index
    %get3A_34 = vector.load %arg5[%get3A_32, %get3A_33] : memref<32x100xf32, #tpu.memory_space<vmem>>, vector<32x100xf32>
    %dot_general3A_35 = arith.constant dense<0.000000e+00> : vector<2000x100xf32>
    %dot_general3A_36 = tpu.matmul %get3A_3, %get3A_34, %dot_general3A_35 {dimension_numbers = #tpu.dot_dimension_numbers<[1], [0], [0], [1], [0, 0, 1, 1], [], []>, precision = #tpu.contract_precision<fp32>, transpose_lhs_hint = false} : vector<2000x32xf32>, vector<32x100xf32>, vector<2000x100xf32> -> vector<2000x100xf32>
    %get3A_37 = arith.constant 0 : index
    %get3A_38 = arith.constant 0 : index
    %get3A_39 = vector.load %arg6[%get3A_37, %get3A_38] : memref<32x100xf32, #tpu.memory_space<vmem>>, vector<32x100xf32>
    %dot_general3A_40 = arith.constant dense<0.000000e+00> : vector<2000x100xf32>
    %dot_general3A_41 = tpu.matmul %get3A_8, %get3A_39, %dot_general3A_40 {dimension_numbers = #tpu.dot_dimension_numbers<[1], [0], [0], [1], [0, 0, 1, 1], [], []>, precision = #tpu.contract_precision<fp32>, transpose_lhs_hint = false} : vector<2000x32xf32>, vector<32x100xf32>, vector<2000x100xf32> -> vector<2000x100xf32>
    %add3A_42 = arith.addf %dot_general3A_36, %dot_general3A_41 : vector<2000x100xf32>
    %get3A_43 = arith.constant 0 : index
    %get3A_44 = arith.constant 0 : index
    %get3A_45 = vector.load %arg10[%get3A_43, %get3A_44] : memref<100x100xf32, #tpu.memory_space<vmem>>, vector<100x100xf32>
    %dot_general3A_46 = arith.constant dense<0.000000e+00> : vector<2000x100xf32>
    %dot_general3A_47 = tpu.matmul %get3A_11, %get3A_45, %dot_general3A_46 {dimension_numbers = #tpu.dot_dimension_numbers<[1], [0], [0], [1], [0, 0, 1, 1], [], []>, precision = #tpu.contract_precision<fp32>, transpose_lhs_hint = false} : vector<2000x100xf32>, vector<100x100xf32>, vector<2000x100xf32> -> vector<2000x100xf32>
    %add3A_48 = arith.addf %add3A_42, %dot_general3A_47 : vector<2000x100xf32>
    %get3A_49 = arith.constant 0 : index
    %get3A_50 = arith.constant 0 : index
    %get3A_51 = vector.load %arg13[%get3A_49, %get3A_50] : memref<1x100xf32, #tpu.memory_space<vmem>>, vector<1x100xf32>
    %add3A_52 = vector.broadcast %get3A_51 : vector<1x100xf32> to vector<2000x100xf32>
    %add3A_53 = arith.addf %add3A_48, %add3A_52 : vector<2000x100xf32>
    %get3A_54 = arith.constant 0 : index
    %get3A_55 = arith.constant 0 : index
    %get3A_56 = vector.load %arg7[%get3A_54, %get3A_55] : memref<32x100xf32, #tpu.memory_space<vmem>>, vector<32x100xf32>
    %dot_general3A_57 = arith.constant dense<0.000000e+00> : vector<2000x100xf32>
    %dot_general3A_58 = tpu.matmul %get3A_3, %get3A_56, %dot_general3A_57 {dimension_numbers = #tpu.dot_dimension_numbers<[1], [0], [0], [1], [0, 0, 1, 1], [], []>, precision = #tpu.contract_precision<fp32>, transpose_lhs_hint = false} : vector<2000x32xf32>, vector<32x100xf32>, vector<2000x100xf32> -> vector<2000x100xf32>
    %get3A_59 = arith.constant 0 : index
    %get3A_60 = arith.constant 0 : index
    %get3A_61 = vector.load %arg8[%get3A_59, %get3A_60] : memref<32x100xf32, #tpu.memory_space<vmem>>, vector<32x100xf32>
    %dot_general3A_62 = arith.constant dense<0.000000e+00> : vector<2000x100xf32>
    %dot_general3A_63 = tpu.matmul %get3A_8, %get3A_61, %dot_general3A_62 {dimension_numbers = #tpu.dot_dimension_numbers<[1], [0], [0], [1], [0, 0, 1, 1], [], []>, precision = #tpu.contract_precision<fp32>, transpose_lhs_hint = false} : vector<2000x32xf32>, vector<32x100xf32>, vector<2000x100xf32> -> vector<2000x100xf32>
    %add3A_64 = arith.addf %dot_general3A_58, %dot_general3A_63 : vector<2000x100xf32>
    %get3A_65 = arith.constant 0 : index
    %get3A_66 = arith.constant 0 : index
    %get3A_67 = vector.load %arg14[%get3A_65, %get3A_66] : memref<1x100xf32, #tpu.memory_space<vmem>>, vector<1x100xf32>
    %add3A_68 = vector.broadcast %get3A_67 : vector<1x100xf32> to vector<2000x100xf32>
    %add3A_69 = arith.addf %add3A_64, %add3A_68 : vector<2000x100xf32>
    %get3A_70 = arith.constant 0 : index
    %get3A_71 = arith.constant 0 : index
    %get3A_72 = vector.load %arg11[%get3A_70, %get3A_71] : memref<100x100xf32, #tpu.memory_space<vmem>>, vector<100x100xf32>
    %dot_general3A_73 = arith.constant dense<0.000000e+00> : vector<2000x100xf32>
    %dot_general3A_74 = tpu.matmul %get3A_11, %get3A_72, %dot_general3A_73 {dimension_numbers = #tpu.dot_dimension_numbers<[1], [0], [0], [1], [0, 0, 1, 1], [], []>, precision = #tpu.contract_precision<fp32>, transpose_lhs_hint = false} : vector<2000x100xf32>, vector<100x100xf32>, vector<2000x100xf32> -> vector<2000x100xf32>
    %get3A_75 = arith.constant 0 : index
    %get3A_76 = arith.constant 0 : index
    %get3A_77 = vector.load %arg15[%get3A_75, %get3A_76] : memref<1x100xf32, #tpu.memory_space<vmem>>, vector<1x100xf32>
    %add3A_78 = vector.broadcast %get3A_77 : vector<1x100xf32> to vector<2000x100xf32>
    %add3A_79 = arith.addf %dot_general3A_74, %add3A_78 : vector<2000x100xf32>
    %logistic3A = arith.negf %add3A_31 : vector<2000x100xf32>
    %logistic3A_80 = math.exp %logistic3A : vector<2000x100xf32>
    %logistic3A_81 = arith.constant 1.000000e+00 : f32
    %logistic3A_82 = vector.broadcast %logistic3A_81 : f32 to vector<2000x100xf32>
    %logistic3A_83 = arith.addf %logistic3A_82, %logistic3A_80 : vector<2000x100xf32>
    %logistic3A_84 = arith.divf %logistic3A_82, %logistic3A_83 : vector<2000x100xf32>
    %logistic3A_85 = arith.negf %add3A_53 : vector<2000x100xf32>
    %logistic3A_86 = math.exp %logistic3A_85 : vector<2000x100xf32>
    %logistic3A_87 = arith.constant 1.000000e+00 : f32
    %logistic3A_88 = vector.broadcast %logistic3A_87 : f32 to vector<2000x100xf32>
    %logistic3A_89 = arith.addf %logistic3A_88, %logistic3A_86 : vector<2000x100xf32>
    %logistic3A_90 = arith.divf %logistic3A_88, %logistic3A_89 : vector<2000x100xf32>
    %mul3A = arith.mulf %logistic3A_84, %add3A_79 : vector<2000x100xf32>
    %add3A_91 = arith.addf %add3A_69, %mul3A : vector<2000x100xf32>
    %tanh3A = math.tanh %add3A_91 : vector<2000x100xf32>
    %sub3A = arith.constant 1.000000e+00 : f32
    %sub3A_92 = vector.broadcast %sub3A : f32 to vector<2000x100xf32>
    %sub3A_93 = arith.subf %sub3A_92, %logistic3A_90 : vector<2000x100xf32>
    %mul3A_94 = arith.mulf %sub3A_93, %tanh3A : vector<2000x100xf32>
    %mul3A_95 = arith.mulf %logistic3A_90, %get3A_11 : vector<2000x100xf32>
    %add3A_96 = arith.addf %mul3A_94, %mul3A_95 : vector<2000x100xf32>
    %swap3A = arith.constant 0 : index
    %swap3A_97 = arith.constant 0 : index
    %swap3A_98 = vector.load %arg20[%swap3A, %swap3A_97] : memref<2000x100xf32, #tpu.memory_space<vmem>>, vector<2000x100xf32>
    tpu.vector_store %arg20[%swap3A, %swap3A_97], %add3A_96 {strides = array<i32>} : memref<2000x100xf32, #tpu.memory_space<vmem>>, vector<2000x100xf32>,
    %get3A_99 = arith.constant 0 : index
    %get3A_100 = arith.constant 0 : index
    %get3A_101 = vector.load %arg16[%get3A_99, %get3A_100] : memref<100x32xf32, #tpu.memory_space<vmem>>, vector<100x32xf32>
    %dot_general3A_102 = arith.constant dense<0.000000e+00> : vector<2000x32xf32>
    %dot_general3A_103 = tpu.matmul %add3A_96, %get3A_101, %dot_general3A_102 {dimension_numbers = #tpu.dot_dimension_numbers<[1], [0], [0], [1], [0, 0, 1, 1], [], []>, precision = #tpu.contract_precision<fp32>, transpose_lhs_hint = false} : vector<2000x100xf32>, vector<100x32xf32>, vector<2000x32xf32> -> vector<2000x32xf32>
    %get3A_104 = arith.constant 0 : index
    %get3A_105 = arith.constant 0 : index
    %get3A_106 = vector.load %arg18[%get3A_104, %get3A_105] : memref<1x32xf32, #tpu.memory_space<vmem>>, vector<1x32xf32>
    %add3A_107 = vector.broadcast %get3A_106 : vector<1x32xf32> to vector<2000x32xf32>
    %add3A_108 = arith.addf %dot_general3A_103, %add3A_107 : vector<2000x32xf32>
    %max3A = arith.constant 0.000000e+00 : f32
    %max3A_109 = vector.broadcast %max3A : f32 to vector<2000x32xf32>
    %max3A_110 = arith.maximumf %add3A_108, %max3A_109 : vector<2000x32xf32>
    %swap3A_111 = arith.constant 0 : index
    %swap3A_112 = arith.constant 0 : index
    %swap3A_113 = arith.constant 0 : index
    %swap3A_114 = vector.load %arg21[%swap3A_111, %swap3A_112, %swap3A_113] : memref<2x2000x32xf32, #tpu.memory_space<vmem>>, vector<1x2000x32xf32>
    %swap3A_115 = vector.shape_cast %swap3A_114 : vector<1x2000x32xf32> to vector<2000x32xf32>
    %swap3A_116 = vector.shape_cast %max3A_110 : vector<2000x32xf32> to vector<1x2000x32xf32>
    tpu.vector_store %arg21[%swap3A_111, %swap3A_112, %swap3A_113], %swap3A_116 {strides = array<i32>} : memref<2x2000x32xf32, #tpu.memory_space<vmem>>, vector<1x2000x32xf32>,
    %get3A_117 = arith.constant 0 : index
    %get3A_118 = arith.constant 0 : index
    %get3A_119 = vector.load %arg17[%get3A_117, %get3A_118] : memref<100x32xf32, #tpu.memory_space<vmem>>, vector<100x32xf32>
    %dot_general3A_120 = arith.constant dense<0.000000e+00> : vector<2000x32xf32>
    %dot_general3A_121 = tpu.matmul %add3A_96, %get3A_119, %dot_general3A_120 {dimension_numbers = #tpu.dot_dimension_numbers<[1], [0], [0], [1], [0, 0, 1, 1], [], []>, precision = #tpu.contract_precision<fp32>, transpose_lhs_hint = false} : vector<2000x100xf32>, vector<100x32xf32>, vector<2000x32xf32> -> vector<2000x32xf32>
    %get3A_122 = arith.constant 0 : index
    %get3A_123 = arith.constant 0 : index
    %get3A_124 = vector.load %arg19[%get3A_122, %get3A_123] : memref<1x32xf32, #tpu.memory_space<vmem>>, vector<1x32xf32>
    %add3A_125 = vector.broadcast %get3A_124 : vector<1x32xf32> to vector<2000x32xf32>
    %add3A_126 = arith.addf %dot_general3A_121, %add3A_125 : vector<2000x32xf32>
    %max3A_127 = arith.constant 0.000000e+00 : f32
    %max3A_128 = vector.broadcast %max3A_127 : f32 to vector<2000x32xf32>
    %max3A_129 = arith.maximumf %add3A_126, %max3A_128 : vector<2000x32xf32>
    %swap3A_130 = arith.constant 1 : index
    %swap3A_131 = arith.constant 0 : index
    %swap3A_132 = arith.constant 0 : index
    %swap3A_133 = vector.load %arg21[%swap3A_130, %swap3A_131, %swap3A_132] : memref<2x2000x32xf32, #tpu.memory_space<vmem>>, vector<1x2000x32xf32>
    %swap3A_134 = vector.shape_cast %swap3A_133 : vector<1x2000x32xf32> to vector<2000x32xf32>
    %swap3A_135 = vector.shape_cast %max3A_129 : vector<2000x32xf32> to vector<1x2000x32xf32>
    tpu.vector_store %arg21[%swap3A_130, %swap3A_131, %swap3A_132], %swap3A_135 {strides = array<i32>} : memref<2x2000x32xf32, #tpu.memory_space<vmem>>, vector<1x2000x32xf32>,
    return
  }
  func.func @transform_0(%arg0: i32) -> (i32, i32, i32) {
    %c0_i32 = arith.constant 0 : i32
    %c0_i32_0 = arith.constant 0 : i32
    %c0_i32_1 = arith.constant 0 : i32
    return %c0_i32, %arg0, %c0_i32_0 : i32, i32, i32
  }
  func.func @transform_1(%arg0: i32) -> (i32, i32) {
    %c0_i32 = arith.constant 0 : i32
    %c0_i32_0 = arith.constant 0 : i32
    return %arg0, %c0_i32 : i32, i32
  }
  func.func @transform_2(%arg0: i32) -> (i32, i32) {
    %c0_i32 = arith.constant 0 : i32
    %c0_i32_0 = arith.constant 0 : i32
    %c0_i32_1 = arith.constant 0 : i32
    return %c0_i32, %c0_i32_0 : i32, i32
  }
  func.func @transform_3(%arg0: i32) -> (i32, i32) {
    %c0_i32 = arith.constant 0 : i32
    %c0_i32_0 = arith.constant 0 : i32
    %c0_i32_1 = arith.constant 0 : i32
    return %c0_i32, %c0_i32_0 : i32, i32
  }
  func.func @transform_4(%arg0: i32) -> (i32, i32) {
    %c0_i32 = arith.constant 0 : i32
    %c0_i32_0 = arith.constant 0 : i32
    %c0_i32_1 = arith.constant 0 : i32
    return %c0_i32, %c0_i32_0 : i32, i32
  }
  func.func @transform_5(%arg0: i32) -> (i32, i32) {
    %c0_i32 = arith.constant 0 : i32
    %c0_i32_0 = arith.constant 0 : i32
    %c0_i32_1 = arith.constant 0 : i32
    return %c0_i32, %c0_i32_0 : i32, i32
  }
  func.func @transform_6(%arg0: i32) -> (i32, i32) {
    %c0_i32 = arith.constant 0 : i32
    %c0_i32_0 = arith.constant 0 : i32
    %c0_i32_1 = arith.constant 0 : i32
    return %c0_i32, %c0_i32_0 : i32, i32
  }
  func.func @transform_7(%arg0: i32) -> (i32, i32) {
    %c0_i32 = arith.constant 0 : i32
    %c0_i32_0 = arith.constant 0 : i32
    %c0_i32_1 = arith.constant 0 : i32
    return %c0_i32, %c0_i32_0 : i32, i32
  }
  func.func @transform_8(%arg0: i32) -> (i32, i32) {
    %c0_i32 = arith.constant 0 : i32
    %c0_i32_0 = arith.constant 0 : i32
    %c0_i32_1 = arith.constant 0 : i32
    return %c0_i32, %c0_i32_0 : i32, i32
  }
  func.func @transform_9(%arg0: i32) -> (i32, i32) {
    %c0_i32 = arith.constant 0 : i32
    %c0_i32_0 = arith.constant 0 : i32
    %c0_i32_1 = arith.constant 0 : i32
    return %c0_i32, %c0_i32_0 : i32, i32
  }
  func.func @transform_10(%arg0: i32) -> (i32, i32) {
    %c0_i32 = arith.constant 0 : i32
    %c0_i32_0 = arith.constant 0 : i32
    %c0_i32_1 = arith.constant 0 : i32
    return %c0_i32, %c0_i32_0 : i32, i32
  }
  func.func @transform_11(%arg0: i32) -> (i32, i32) {
    %c0_i32 = arith.constant 0 : i32
    %c0_i32_0 = arith.constant 0 : i32
    %c0_i32_1 = arith.constant 0 : i32
    return %c0_i32, %c0_i32_0 : i32, i32
  }
  func.func @transform_12(%arg0: i32) -> (i32, i32) {
    %c0_i32 = arith.constant 0 : i32
    %c0_i32_0 = arith.constant 0 : i32
    %c0_i32_1 = arith.constant 0 : i32
    return %c0_i32, %c0_i32_0 : i32, i32
  }
  func.func @transform_13(%arg0: i32) -> (i32, i32) {
    %c0_i32 = arith.constant 0 : i32
    %c0_i32_0 = arith.constant 0 : i32
    %c0_i32_1 = arith.constant 0 : i32
    return %c0_i32, %c0_i32_0 : i32, i32
  }
  func.func @transform_14(%arg0: i32) -> (i32, i32) {
    %c0_i32 = arith.constant 0 : i32
    %c0_i32_0 = arith.constant 0 : i32
    %c0_i32_1 = arith.constant 0 : i32
    return %c0_i32, %c0_i32_0 : i32, i32
  }
  func.func @transform_15(%arg0: i32) -> (i32, i32) {
    %c0_i32 = arith.constant 0 : i32
    %c0_i32_0 = arith.constant 0 : i32
    %c0_i32_1 = arith.constant 0 : i32
    return %c0_i32, %c0_i32_0 : i32, i32
  }
  func.func @transform_16(%arg0: i32) -> (i32, i32) {
    %c0_i32 = arith.constant 0 : i32
    %c0_i32_0 = arith.constant 0 : i32
    %c0_i32_1 = arith.constant 0 : i32
    return %c0_i32, %c0_i32_0 : i32, i32
  }
  func.func @transform_17(%arg0: i32) -> (i32, i32) {
    %c0_i32 = arith.constant 0 : i32
    %c0_i32_0 = arith.constant 0 : i32
    %c0_i32_1 = arith.constant 0 : i32
    return %c0_i32, %c0_i32_0 : i32, i32
  }
  func.func @transform_18(%arg0: i32) -> (i32, i32) {
    %c0_i32 = arith.constant 0 : i32
    %c0_i32_0 = arith.constant 0 : i32
    %c0_i32_1 = arith.constant 0 : i32
    return %c0_i32, %c0_i32_0 : i32, i32
  }
  func.func @transform_19(%arg0: i32) -> (i32, i32) {
    %c0_i32 = arith.constant 0 : i32
    %c0_i32_0 = arith.constant 0 : i32
    return %arg0, %c0_i32 : i32, i32
  }
  func.func @transform_20(%arg0: i32) -> (i32, i32, i32) {
    %c0_i32 = arith.constant 0 : i32
    %c0_i32_0 = arith.constant 0 : i32
    %c0_i32_1 = arith.constant 0 : i32
    return %c0_i32, %arg0, %c0_i32_0 : i32, i32, i32
  }
}

module attributes {stable_mosaic.version = 14 : i64} {
  func.func @_upd_body(%arg0: i32, %arg1: memref<2x2000x32xf32, #tpu.memory_space<vmem>>, %arg2: memref<2000x100xf32, #tpu.memory_space<vmem>>, %arg3: memref<32x100xf32, #tpu.memory_space<vmem>>, %arg4: memref<32x100xf32, #tpu.memory_space<vmem>>, %arg5: memref<32x100xf32, #tpu.memory_space<vmem>>, %arg6: memref<32x100xf32, #tpu.memory_space<vmem>>, %arg7: memref<32x100xf32, #tpu.memory_space<vmem>>, %arg8: memref<32x100xf32, #tpu.memory_space<vmem>>, %arg9: memref<100x100xf32, #tpu.memory_space<vmem>>, %arg10: memref<100x100xf32, #tpu.memory_space<vmem>>, %arg11: memref<100x100xf32, #tpu.memory_space<vmem>>, %arg12: memref<1x100xf32, #tpu.memory_space<vmem>>, %arg13: memref<1x100xf32, #tpu.memory_space<vmem>>, %arg14: memref<1x100xf32, #tpu.memory_space<vmem>>, %arg15: memref<1x100xf32, #tpu.memory_space<vmem>>, %arg16: memref<100x32xf32, #tpu.memory_space<vmem>>, %arg17: memref<100x32xf32, #tpu.memory_space<vmem>>, %arg18: memref<1x32xf32, #tpu.memory_space<vmem>>, %arg19: memref<1x32xf32, #tpu.memory_space<vmem>>, %arg20: memref<2000x100xf32, #tpu.memory_space<vmem>>, %arg21: memref<2x2000x32xf32, #tpu.memory_space<vmem>>) attributes {dimension_semantics = [#tpu.dimension_semantics<arbitrary>], iteration_bounds = array<i64: 25>, scalar_prefetch = 0 : i64, scratch_operands = 0 : i64, tpu.core_type = #tpu.core_type<tc>, window_params = [{transform_indices = @transform_0, window_bounds = array<i64: 2, 2000, 32>}, {transform_indices = @transform_1, window_bounds = array<i64: 2000, 100>}, {pipeline_mode = #tpu.pipeline_mode<synchronous>, transform_indices = @transform_2, window_bounds = array<i64: 32, 100>}, {pipeline_mode = #tpu.pipeline_mode<synchronous>, transform_indices = @transform_3, window_bounds = array<i64: 32, 100>}, {pipeline_mode = #tpu.pipeline_mode<synchronous>, transform_indices = @transform_4, window_bounds = array<i64: 32, 100>}, {pipeline_mode = #tpu.pipeline_mode<synchronous>, transform_indices = @transform_5, window_bounds = array<i64: 32, 100>}, {pipeline_mode = #tpu.pipeline_mode<synchronous>, transform_indices = @transform_6, window_bounds = array<i64: 32, 100>}, {pipeline_mode = #tpu.pipeline_mode<synchronous>, transform_indices = @transform_7, window_bounds = array<i64: 32, 100>}, {pipeline_mode = #tpu.pipeline_mode<synchronous>, transform_indices = @transform_8, window_bounds = array<i64: 100, 100>}, {pipeline_mode = #tpu.pipeline_mode<synchronous>, transform_indices = @transform_9, window_bounds = array<i64: 100, 100>}, {pipeline_mode = #tpu.pipeline_mode<synchronous>, transform_indices = @transform_10, window_bounds = array<i64: 100, 100>}, {pipeline_mode = #tpu.pipeline_mode<synchronous>, transform_indices = @transform_11, window_bounds = array<i64: 1, 100>}, {pipeline_mode = #tpu.pipeline_mode<synchronous>, transform_indices = @transform_12, window_bounds = array<i64: 1, 100>}, {pipeline_mode = #tpu.pipeline_mode<synchronous>, transform_indices = @transform_13, window_bounds = array<i64: 1, 100>}, {pipeline_mode = #tpu.pipeline_mode<synchronous>, transform_indices = @transform_14, window_bounds = array<i64: 1, 100>}, {pipeline_mode = #tpu.pipeline_mode<synchronous>, transform_indices = @transform_15, window_bounds = array<i64: 100, 32>}, {pipeline_mode = #tpu.pipeline_mode<synchronous>, transform_indices = @transform_16, window_bounds = array<i64: 100, 32>}, {pipeline_mode = #tpu.pipeline_mode<synchronous>, transform_indices = @transform_17, window_bounds = array<i64: 1, 32>}, {pipeline_mode = #tpu.pipeline_mode<synchronous>, transform_indices = @transform_18, window_bounds = array<i64: 1, 32>}, {transform_indices = @transform_19, window_bounds = array<i64: 2000, 100>}, {transform_indices = @transform_20, window_bounds = array<i64: 2, 2000, 32>}]} {
    %get3A = arith.constant 0 : index
    %get3A_0 = arith.constant 0 : index
    %get3A_1 = arith.constant 0 : index
    %get3A_2 = vector.load %arg1[%get3A, %get3A_0, %get3A_1] : memref<2x2000x32xf32, #tpu.memory_space<vmem>>, vector<1x2000x32xf32>
    %get3A_3 = vector.shape_cast %get3A_2 : vector<1x2000x32xf32> to vector<2000x32xf32>
    %get3A_4 = arith.constant 1 : index
    %get3A_5 = arith.constant 0 : index
    %get3A_6 = arith.constant 0 : index
    %get3A_7 = vector.load %arg1[%get3A_4, %get3A_5, %get3A_6] : memref<2x2000x32xf32, #tpu.memory_space<vmem>>, vector<1x2000x32xf32>
    %get3A_8 = vector.shape_cast %get3A_7 : vector<1x2000x32xf32> to vector<2000x32xf32>
    %get3A_9 = arith.constant 0 : index
    %get3A_10 = arith.constant 0 : index
    %get3A_11 = vector.load %arg2[%get3A_9, %get3A_10] : memref<2000x100xf32, #tpu.memory_space<vmem>>, vector<2000x100xf32>
    %get3A_12 = arith.constant 0 : index
    %get3A_13 = arith.constant 0 : index
    %get3A_14 = vector.load %arg3[%get3A_12, %get3A_13] : memref<32x100xf32, #tpu.memory_space<vmem>>, vector<32x100xf32>
    %dot_general3A = arith.constant dense<0.000000e+00> : vector<2000x100xf32>
    %dot_general3A_15 = tpu.matmul %get3A_3, %get3A_14, %dot_general3A {dimension_numbers = #tpu.dot_dimension_numbers<[1], [0], [0], [1], [0, 0, 1, 1], [], []>, precision = #tpu.contract_precision<fp32>, transpose_lhs_hint = false} : vector<2000x32xf32>, vector<32x100xf32>, vector<2000x100xf32> -> vector<2000x100xf32>
    %get3A_16 = arith.constant 0 : index
    %get3A_17 = arith.constant 0 : index
    %get3A_18 = vector.load %arg4[%get3A_16, %get3A_17] : memref<32x100xf32, #tpu.memory_space<vmem>>, vector<32x100xf32>
    %dot_general3A_19 = arith.constant dense<0.000000e+00> : vector<2000x100xf32>
    %dot_general3A_20 = tpu.matmul %get3A_8, %get3A_18, %dot_general3A_19 {dimension_numbers = #tpu.dot_dimension_numbers<[1], [0], [0], [1], [0, 0, 1, 1], [], []>, precision = #tpu.contract_precision<fp32>, transpose_lhs_hint = false} : vector<2000x32xf32>, vector<32x100xf32>, vector<2000x100xf32> -> vector<2000x100xf32>
    %add3A = arith.addf %dot_general3A_15, %dot_general3A_20 : vector<2000x100xf32>
    %get3A_21 = arith.constant 0 : index
    %get3A_22 = arith.constant 0 : index
    %get3A_23 = vector.load %arg9[%get3A_21, %get3A_22] : memref<100x100xf32, #tpu.memory_space<vmem>>, vector<100x100xf32>
    %dot_general3A_24 = arith.constant dense<0.000000e+00> : vector<2000x100xf32>
    %dot_general3A_25 = tpu.matmul %get3A_11, %get3A_23, %dot_general3A_24 {dimension_numbers = #tpu.dot_dimension_numbers<[1], [0], [0], [1], [0, 0, 1, 1], [], []>, precision = #tpu.contract_precision<fp32>, transpose_lhs_hint = false} : vector<2000x100xf32>, vector<100x100xf32>, vector<2000x100xf32> -> vector<2000x100xf32>
    %add3A_26 = arith.addf %add3A, %dot_general3A_25 : vector<2000x100xf32>
    %get3A_27 = arith.constant 0 : index
    %get3A_28 = arith.constant 0 : index
    %get3A_29 = vector.load %arg12[%get3A_27, %get3A_28] : memref<1x100xf32, #tpu.memory_space<vmem>>, vector<1x100xf32>
    %add3A_30 = vector.broadcast %get3A_29 : vector<1x100xf32> to vector<2000x100xf32>
    %add3A_31 = arith.addf %add3A_26, %add3A_30 : vector<2000x100xf32>
    %get3A_32 = arith.constant 0 : index
    %get3A_33 = arith.constant 0 : index
    %get3A_34 = vector.load %arg5[%get3A_32, %get3A_33] : memref<32x100xf32, #tpu.memory_space<vmem>>, vector<32x100xf32>
    %dot_general3A_35 = arith.constant dense<0.000000e+00> : vector<2000x100xf32>
    %dot_general3A_36 = tpu.matmul %get3A_3, %get3A_34, %dot_general3A_35 {dimension_numbers = #tpu.dot_dimension_numbers<[1], [0], [0], [1], [0, 0, 1, 1], [], []>, precision = #tpu.contract_precision<fp32>, transpose_lhs_hint = false} : vector<2000x32xf32>, vector<32x100xf32>, vector<2000x100xf32> -> vector<2000x100xf32>
    %get3A_37 = arith.constant 0 : index
    %get3A_38 = arith.constant 0 : index
    %get3A_39 = vector.load %arg6[%get3A_37, %get3A_38] : memref<32x100xf32, #tpu.memory_space<vmem>>, vector<32x100xf32>
    %dot_general3A_40 = arith.constant dense<0.000000e+00> : vector<2000x100xf32>
    %dot_general3A_41 = tpu.matmul %get3A_8, %get3A_39, %dot_general3A_40 {dimension_numbers = #tpu.dot_dimension_numbers<[1], [0], [0], [1], [0, 0, 1, 1], [], []>, precision = #tpu.contract_precision<fp32>, transpose_lhs_hint = false} : vector<2000x32xf32>, vector<32x100xf32>, vector<2000x100xf32> -> vector<2000x100xf32>
    %add3A_42 = arith.addf %dot_general3A_36, %dot_general3A_41 : vector<2000x100xf32>
    %get3A_43 = arith.constant 0 : index
    %get3A_44 = arith.constant 0 : index
    %get3A_45 = vector.load %arg10[%get3A_43, %get3A_44] : memref<100x100xf32, #tpu.memory_space<vmem>>, vector<100x100xf32>
    %dot_general3A_46 = arith.constant dense<0.000000e+00> : vector<2000x100xf32>
    %dot_general3A_47 = tpu.matmul %get3A_11, %get3A_45, %dot_general3A_46 {dimension_numbers = #tpu.dot_dimension_numbers<[1], [0], [0], [1], [0, 0, 1, 1], [], []>, precision = #tpu.contract_precision<fp32>, transpose_lhs_hint = false} : vector<2000x100xf32>, vector<100x100xf32>, vector<2000x100xf32> -> vector<2000x100xf32>
    %add3A_48 = arith.addf %add3A_42, %dot_general3A_47 : vector<2000x100xf32>
    %get3A_49 = arith.constant 0 : index
    %get3A_50 = arith.constant 0 : index
    %get3A_51 = vector.load %arg13[%get3A_49, %get3A_50] : memref<1x100xf32, #tpu.memory_space<vmem>>, vector<1x100xf32>
    %add3A_52 = vector.broadcast %get3A_51 : vector<1x100xf32> to vector<2000x100xf32>
    %add3A_53 = arith.addf %add3A_48, %add3A_52 : vector<2000x100xf32>
    %get3A_54 = arith.constant 0 : index
    %get3A_55 = arith.constant 0 : index
    %get3A_56 = vector.load %arg7[%get3A_54, %get3A_55] : memref<32x100xf32, #tpu.memory_space<vmem>>, vector<32x100xf32>
    %dot_general3A_57 = arith.constant dense<0.000000e+00> : vector<2000x100xf32>
    %dot_general3A_58 = tpu.matmul %get3A_3, %get3A_56, %dot_general3A_57 {dimension_numbers = #tpu.dot_dimension_numbers<[1], [0], [0], [1], [0, 0, 1, 1], [], []>, precision = #tpu.contract_precision<fp32>, transpose_lhs_hint = false} : vector<2000x32xf32>, vector<32x100xf32>, vector<2000x100xf32> -> vector<2000x100xf32>
    %get3A_59 = arith.constant 0 : index
    %get3A_60 = arith.constant 0 : index
    %get3A_61 = vector.load %arg8[%get3A_59, %get3A_60] : memref<32x100xf32, #tpu.memory_space<vmem>>, vector<32x100xf32>
    %dot_general3A_62 = arith.constant dense<0.000000e+00> : vector<2000x100xf32>
    %dot_general3A_63 = tpu.matmul %get3A_8, %get3A_61, %dot_general3A_62 {dimension_numbers = #tpu.dot_dimension_numbers<[1], [0], [0], [1], [0, 0, 1, 1], [], []>, precision = #tpu.contract_precision<fp32>, transpose_lhs_hint = false} : vector<2000x32xf32>, vector<32x100xf32>, vector<2000x100xf32> -> vector<2000x100xf32>
    %add3A_64 = arith.addf %dot_general3A_58, %dot_general3A_63 : vector<2000x100xf32>
    %get3A_65 = arith.constant 0 : index
    %get3A_66 = arith.constant 0 : index
    %get3A_67 = vector.load %arg14[%get3A_65, %get3A_66] : memref<1x100xf32, #tpu.memory_space<vmem>>, vector<1x100xf32>
    %add3A_68 = vector.broadcast %get3A_67 : vector<1x100xf32> to vector<2000x100xf32>
    %add3A_69 = arith.addf %add3A_64, %add3A_68 : vector<2000x100xf32>
    %get3A_70 = arith.constant 0 : index
    %get3A_71 = arith.constant 0 : index
    %get3A_72 = vector.load %arg11[%get3A_70, %get3A_71] : memref<100x100xf32, #tpu.memory_space<vmem>>, vector<100x100xf32>
    %dot_general3A_73 = arith.constant dense<0.000000e+00> : vector<2000x100xf32>
    %dot_general3A_74 = tpu.matmul %get3A_11, %get3A_72, %dot_general3A_73 {dimension_numbers = #tpu.dot_dimension_numbers<[1], [0], [0], [1], [0, 0, 1, 1], [], []>, precision = #tpu.contract_precision<fp32>, transpose_lhs_hint = false} : vector<2000x100xf32>, vector<100x100xf32>, vector<2000x100xf32> -> vector<2000x100xf32>
    %get3A_75 = arith.constant 0 : index
    %get3A_76 = arith.constant 0 : index
    %get3A_77 = vector.load %arg15[%get3A_75, %get3A_76] : memref<1x100xf32, #tpu.memory_space<vmem>>, vector<1x100xf32>
    %add3A_78 = vector.broadcast %get3A_77 : vector<1x100xf32> to vector<2000x100xf32>
    %add3A_79 = arith.addf %dot_general3A_74, %add3A_78 : vector<2000x100xf32>
    %logistic3A = arith.negf %add3A_31 : vector<2000x100xf32>
    %logistic3A_80 = math.exp %logistic3A : vector<2000x100xf32>
    %logistic3A_81 = arith.constant 1.000000e+00 : f32
    %logistic3A_82 = vector.broadcast %logistic3A_81 : f32 to vector<2000x100xf32>
    %logistic3A_83 = arith.addf %logistic3A_82, %logistic3A_80 : vector<2000x100xf32>
    %logistic3A_84 = arith.divf %logistic3A_82, %logistic3A_83 : vector<2000x100xf32>
    %logistic3A_85 = arith.negf %add3A_53 : vector<2000x100xf32>
    %logistic3A_86 = math.exp %logistic3A_85 : vector<2000x100xf32>
    %logistic3A_87 = arith.constant 1.000000e+00 : f32
    %logistic3A_88 = vector.broadcast %logistic3A_87 : f32 to vector<2000x100xf32>
    %logistic3A_89 = arith.addf %logistic3A_88, %logistic3A_86 : vector<2000x100xf32>
    %logistic3A_90 = arith.divf %logistic3A_88, %logistic3A_89 : vector<2000x100xf32>
    %mul3A = arith.mulf %logistic3A_84, %add3A_79 : vector<2000x100xf32>
    %add3A_91 = arith.addf %add3A_69, %mul3A : vector<2000x100xf32>
    %tanh3A = math.tanh %add3A_91 : vector<2000x100xf32>
    %sub3A = arith.constant 1.000000e+00 : f32
    %sub3A_92 = vector.broadcast %sub3A : f32 to vector<2000x100xf32>
    %sub3A_93 = arith.subf %sub3A_92, %logistic3A_90 : vector<2000x100xf32>
    %mul3A_94 = arith.mulf %sub3A_93, %tanh3A : vector<2000x100xf32>
    %mul3A_95 = arith.mulf %logistic3A_90, %get3A_11 : vector<2000x100xf32>
    %add3A_96 = arith.addf %mul3A_94, %mul3A_95 : vector<2000x100xf32>
    %swap3A = arith.constant 0 : index
    %swap3A_97 = arith.constant 0 : index
    %swap3A_98 = vector.load %arg20[%swap3A, %swap3A_97] : memref<2000x100xf32, #tpu.memory_space<vmem>>, vector<2000x100xf32>
    tpu.vector_store %arg20[%swap3A, %swap3A_97], %add3A_96 {strides = array<i32>} : memref<2000x100xf32, #tpu.memory_space<vmem>>, vector<2000x100xf32>,
    %get3A_99 = arith.constant 0 : index
    %get3A_100 = arith.constant 0 : index
    %get3A_101 = vector.load %arg16[%get3A_99, %get3A_100] : memref<100x32xf32, #tpu.memory_space<vmem>>, vector<100x32xf32>
    %dot_general3A_102 = arith.constant dense<0.000000e+00> : vector<2000x32xf32>
    %dot_general3A_103 = tpu.matmul %add3A_96, %get3A_101, %dot_general3A_102 {dimension_numbers = #tpu.dot_dimension_numbers<[1], [0], [0], [1], [0, 0, 1, 1], [], []>, precision = #tpu.contract_precision<fp32>, transpose_lhs_hint = false} : vector<2000x100xf32>, vector<100x32xf32>, vector<2000x32xf32> -> vector<2000x32xf32>
    %get3A_104 = arith.constant 0 : index
    %get3A_105 = arith.constant 0 : index
    %get3A_106 = vector.load %arg18[%get3A_104, %get3A_105] : memref<1x32xf32, #tpu.memory_space<vmem>>, vector<1x32xf32>
    %add3A_107 = vector.broadcast %get3A_106 : vector<1x32xf32> to vector<2000x32xf32>
    %add3A_108 = arith.addf %dot_general3A_103, %add3A_107 : vector<2000x32xf32>
    %max3A = arith.constant 0.000000e+00 : f32
    %max3A_109 = vector.broadcast %max3A : f32 to vector<2000x32xf32>
    %max3A_110 = arith.maximumf %add3A_108, %max3A_109 : vector<2000x32xf32>
    %swap3A_111 = arith.constant 0 : index
    %swap3A_112 = arith.constant 0 : index
    %swap3A_113 = arith.constant 0 : index
    %swap3A_114 = vector.load %arg21[%swap3A_111, %swap3A_112, %swap3A_113] : memref<2x2000x32xf32, #tpu.memory_space<vmem>>, vector<1x2000x32xf32>
    %swap3A_115 = vector.shape_cast %swap3A_114 : vector<1x2000x32xf32> to vector<2000x32xf32>
    %swap3A_116 = vector.shape_cast %max3A_110 : vector<2000x32xf32> to vector<1x2000x32xf32>
    tpu.vector_store %arg21[%swap3A_111, %swap3A_112, %swap3A_113], %swap3A_116 {strides = array<i32>} : memref<2x2000x32xf32, #tpu.memory_space<vmem>>, vector<1x2000x32xf32>,
    %get3A_117 = arith.constant 0 : index
    %get3A_118 = arith.constant 0 : index
    %get3A_119 = vector.load %arg17[%get3A_117, %get3A_118] : memref<100x32xf32, #tpu.memory_space<vmem>>, vector<100x32xf32>
    %dot_general3A_120 = arith.constant dense<0.000000e+00> : vector<2000x32xf32>
    %dot_general3A_121 = tpu.matmul %add3A_96, %get3A_119, %dot_general3A_120 {dimension_numbers = #tpu.dot_dimension_numbers<[1], [0], [0], [1], [0, 0, 1, 1], [], []>, precision = #tpu.contract_precision<fp32>, transpose_lhs_hint = false} : vector<2000x100xf32>, vector<100x32xf32>, vector<2000x32xf32> -> vector<2000x32xf32>
    %get3A_122 = arith.constant 0 : index
    %get3A_123 = arith.constant 0 : index
    %get3A_124 = vector.load %arg19[%get3A_122, %get3A_123] : memref<1x32xf32, #tpu.memory_space<vmem>>, vector<1x32xf32>
    %add3A_125 = vector.broadcast %get3A_124 : vector<1x32xf32> to vector<2000x32xf32>
    %add3A_126 = arith.addf %dot_general3A_121, %add3A_125 : vector<2000x32xf32>
    %max3A_127 = arith.constant 0.000000e+00 : f32
    %max3A_128 = vector.broadcast %max3A_127 : f32 to vector<2000x32xf32>
    %max3A_129 = arith.maximumf %add3A_126, %max3A_128 : vector<2000x32xf32>
    %swap3A_130 = arith.constant 1 : index
    %swap3A_131 = arith.constant 0 : index
    %swap3A_132 = arith.constant 0 : index
    %swap3A_133 = vector.load %arg21[%swap3A_130, %swap3A_131, %swap3A_132] : memref<2x2000x32xf32, #tpu.memory_space<vmem>>, vector<1x2000x32xf32>
    %swap3A_134 = vector.shape_cast %swap3A_133 : vector<1x2000x32xf32> to vector<2000x32xf32>
    %swap3A_135 = vector.shape_cast %max3A_129 : vector<2000x32xf32> to vector<1x2000x32xf32>
    tpu.vector_store %arg21[%swap3A_130, %swap3A_131, %swap3A_132], %swap3A_135 {strides = array<i32>} : memref<2x2000x32xf32, #tpu.memory_space<vmem>>, vector<1x2000x32xf32>,
    return
  }
  func.func @transform_0(%arg0: i32) -> (i32, i32, i32) {
    %c0_i32 = arith.constant 0 : i32
    %c0_i32_0 = arith.constant 0 : i32
    %c0_i32_1 = arith.constant 0 : i32
    return %c0_i32, %arg0, %c0_i32_0 : i32, i32, i32
  }
  func.func @transform_1(%arg0: i32) -> (i32, i32) {
    %c0_i32 = arith.constant 0 : i32
    %c0_i32_0 = arith.constant 0 : i32
    return %arg0, %c0_i32 : i32, i32
  }
  func.func @transform_2(%arg0: i32) -> (i32, i32) {
    %c0_i32 = arith.constant 0 : i32
    %c0_i32_0 = arith.constant 0 : i32
    %c0_i32_1 = arith.constant 0 : i32
    return %c0_i32, %c0_i32_0 : i32, i32
  }
  func.func @transform_3(%arg0: i32) -> (i32, i32) {
    %c0_i32 = arith.constant 0 : i32
    %c0_i32_0 = arith.constant 0 : i32
    %c0_i32_1 = arith.constant 0 : i32
    return %c0_i32, %c0_i32_0 : i32, i32
  }
  func.func @transform_4(%arg0: i32) -> (i32, i32) {
    %c0_i32 = arith.constant 0 : i32
    %c0_i32_0 = arith.constant 0 : i32
    %c0_i32_1 = arith.constant 0 : i32
    return %c0_i32, %c0_i32_0 : i32, i32
  }
  func.func @transform_5(%arg0: i32) -> (i32, i32) {
    %c0_i32 = arith.constant 0 : i32
    %c0_i32_0 = arith.constant 0 : i32
    %c0_i32_1 = arith.constant 0 : i32
    return %c0_i32, %c0_i32_0 : i32, i32
  }
  func.func @transform_6(%arg0: i32) -> (i32, i32) {
    %c0_i32 = arith.constant 0 : i32
    %c0_i32_0 = arith.constant 0 : i32
    %c0_i32_1 = arith.constant 0 : i32
    return %c0_i32, %c0_i32_0 : i32, i32
  }
  func.func @transform_7(%arg0: i32) -> (i32, i32) {
    %c0_i32 = arith.constant 0 : i32
    %c0_i32_0 = arith.constant 0 : i32
    %c0_i32_1 = arith.constant 0 : i32
    return %c0_i32, %c0_i32_0 : i32, i32
  }
  func.func @transform_8(%arg0: i32) -> (i32, i32) {
    %c0_i32 = arith.constant 0 : i32
    %c0_i32_0 = arith.constant 0 : i32
    %c0_i32_1 = arith.constant 0 : i32
    return %c0_i32, %c0_i32_0 : i32, i32
  }
  func.func @transform_9(%arg0: i32) -> (i32, i32) {
    %c0_i32 = arith.constant 0 : i32
    %c0_i32_0 = arith.constant 0 : i32
    %c0_i32_1 = arith.constant 0 : i32
    return %c0_i32, %c0_i32_0 : i32, i32
  }
  func.func @transform_10(%arg0: i32) -> (i32, i32) {
    %c0_i32 = arith.constant 0 : i32
    %c0_i32_0 = arith.constant 0 : i32
    %c0_i32_1 = arith.constant 0 : i32
    return %c0_i32, %c0_i32_0 : i32, i32
  }
  func.func @transform_11(%arg0: i32) -> (i32, i32) {
    %c0_i32 = arith.constant 0 : i32
    %c0_i32_0 = arith.constant 0 : i32
    %c0_i32_1 = arith.constant 0 : i32
    return %c0_i32, %c0_i32_0 : i32, i32
  }
  func.func @transform_12(%arg0: i32) -> (i32, i32) {
    %c0_i32 = arith.constant 0 : i32
    %c0_i32_0 = arith.constant 0 : i32
    %c0_i32_1 = arith.constant 0 : i32
    return %c0_i32, %c0_i32_0 : i32, i32
  }
  func.func @transform_13(%arg0: i32) -> (i32, i32) {
    %c0_i32 = arith.constant 0 : i32
    %c0_i32_0 = arith.constant 0 : i32
    %c0_i32_1 = arith.constant 0 : i32
    return %c0_i32, %c0_i32_0 : i32, i32
  }
  func.func @transform_14(%arg0: i32) -> (i32, i32) {
    %c0_i32 = arith.constant 0 : i32
    %c0_i32_0 = arith.constant 0 : i32
    %c0_i32_1 = arith.constant 0 : i32
    return %c0_i32, %c0_i32_0 : i32, i32
  }
  func.func @transform_15(%arg0: i32) -> (i32, i32) {
    %c0_i32 = arith.constant 0 : i32
    %c0_i32_0 = arith.constant 0 : i32
    %c0_i32_1 = arith.constant 0 : i32
    return %c0_i32, %c0_i32_0 : i32, i32
  }
  func.func @transform_16(%arg0: i32) -> (i32, i32) {
    %c0_i32 = arith.constant 0 : i32
    %c0_i32_0 = arith.constant 0 : i32
    %c0_i32_1 = arith.constant 0 : i32
    return %c0_i32, %c0_i32_0 : i32, i32
  }
  func.func @transform_17(%arg0: i32) -> (i32, i32) {
    %c0_i32 = arith.constant 0 : i32
    %c0_i32_0 = arith.constant 0 : i32
    %c0_i32_1 = arith.constant 0 : i32
    return %c0_i32, %c0_i32_0 : i32, i32
  }
  func.func @transform_18(%arg0: i32) -> (i32, i32) {
    %c0_i32 = arith.constant 0 : i32
    %c0_i32_0 = arith.constant 0 : i32
    %c0_i32_1 = arith.constant 0 : i32
    return %c0_i32, %c0_i32_0 : i32, i32
  }
  func.func @transform_19(%arg0: i32) -> (i32, i32) {
    %c0_i32 = arith.constant 0 : i32
    %c0_i32_0 = arith.constant 0 : i32
    return %arg0, %c0_i32 : i32, i32
  }
  func.func @transform_20(%arg0: i32) -> (i32, i32, i32) {
    %c0_i32 = arith.constant 0 : i32
    %c0_i32_0 = arith.constant 0 : i32
    %c0_i32_1 = arith.constant 0 : i32
    return %c0_i32, %arg0, %c0_i32_0 : i32, i32, i32
  }
}

module attributes {stable_mosaic.version = 14 : i64} {
  func.func @_cls_body(%arg0: i32, %arg1: memref<2000x100xf32, #tpu.memory_space<vmem>>, %arg2: memref<100x30xf32, #tpu.memory_space<vmem>>, %arg3: memref<1x30xf32, #tpu.memory_space<vmem>>, %arg4: memref<30x1xf32, #tpu.memory_space<vmem>>, %arg5: memref<1x1xf32, #tpu.memory_space<vmem>>, %arg6: memref<2000x1xf32, #tpu.memory_space<vmem>>) attributes {dimension_semantics = [#tpu.dimension_semantics<arbitrary>], iteration_bounds = array<i64: 25>, scalar_prefetch = 0 : i64, scratch_operands = 0 : i64, tpu.core_type = #tpu.core_type<tc>, window_params = [{transform_indices = @transform_0, window_bounds = array<i64: 2000, 100>}, {pipeline_mode = #tpu.pipeline_mode<synchronous>, transform_indices = @transform_1, window_bounds = array<i64: 100, 30>}, {pipeline_mode = #tpu.pipeline_mode<synchronous>, transform_indices = @transform_2, window_bounds = array<i64: 1, 30>}, {pipeline_mode = #tpu.pipeline_mode<synchronous>, transform_indices = @transform_3, window_bounds = array<i64: 30, 1>}, {pipeline_mode = #tpu.pipeline_mode<synchronous>, transform_indices = @transform_4, window_bounds = array<i64: 1, 1>}, {transform_indices = @transform_5, window_bounds = array<i64: 2000, 1>}]} {
    %get3A = arith.constant 0 : index
    %get3A_0 = arith.constant 0 : index
    %get3A_1 = vector.load %arg1[%get3A, %get3A_0] : memref<2000x100xf32, #tpu.memory_space<vmem>>, vector<2000x100xf32>
    %get3A_2 = arith.constant 0 : index
    %get3A_3 = arith.constant 0 : index
    %get3A_4 = vector.load %arg2[%get3A_2, %get3A_3] : memref<100x30xf32, #tpu.memory_space<vmem>>, vector<100x30xf32>
    %dot_general3A = arith.constant dense<0.000000e+00> : vector<2000x30xf32>
    %dot_general3A_5 = tpu.matmul %get3A_1, %get3A_4, %dot_general3A {dimension_numbers = #tpu.dot_dimension_numbers<[1], [0], [0], [1], [0, 0, 1, 1], [], []>, precision = #tpu.contract_precision<fp32>, transpose_lhs_hint = false} : vector<2000x100xf32>, vector<100x30xf32>, vector<2000x30xf32> -> vector<2000x30xf32>
    %get3A_6 = arith.constant 0 : index
    %get3A_7 = arith.constant 0 : index
    %get3A_8 = vector.load %arg3[%get3A_6, %get3A_7] : memref<1x30xf32, #tpu.memory_space<vmem>>, vector<1x30xf32>
    %add3A = vector.broadcast %get3A_8 : vector<1x30xf32> to vector<2000x30xf32>
    %add3A_9 = arith.addf %dot_general3A_5, %add3A : vector<2000x30xf32>
    %max3A = arith.constant 0.000000e+00 : f32
    %max3A_10 = vector.broadcast %max3A : f32 to vector<2000x30xf32>
    %max3A_11 = arith.maximumf %add3A_9, %max3A_10 : vector<2000x30xf32>
    %get3A_12 = arith.constant 0 : index
    %get3A_13 = arith.constant 0 : index
    %get3A_14 = vector.load %arg4[%get3A_12, %get3A_13] : memref<30x1xf32, #tpu.memory_space<vmem>>, vector<30x1xf32>
    %dot_general3A_15 = arith.constant dense<0.000000e+00> : vector<2000x1xf32>
    %dot_general3A_16 = tpu.matmul %max3A_11, %get3A_14, %dot_general3A_15 {dimension_numbers = #tpu.dot_dimension_numbers<[1], [0], [0], [1], [0, 0, 1, 1], [], []>, precision = #tpu.contract_precision<fp32>, transpose_lhs_hint = false} : vector<2000x30xf32>, vector<30x1xf32>, vector<2000x1xf32> -> vector<2000x1xf32>
    %get3A_17 = arith.constant 0 : index
    %get3A_18 = arith.constant 0 : index
    %get3A_19 = vector.load %arg5[%get3A_17, %get3A_18] : memref<1x1xf32, #tpu.memory_space<vmem>>, vector<1x1xf32>
    %add3A_20 = vector.broadcast %get3A_19 : vector<1x1xf32> to vector<2000x1xf32>
    %add3A_21 = arith.addf %dot_general3A_16, %add3A_20 : vector<2000x1xf32>
    %swap3A = arith.constant 0 : index
    %swap3A_22 = arith.constant 0 : index
    %swap3A_23 = vector.load %arg6[%swap3A, %swap3A_22] : memref<2000x1xf32, #tpu.memory_space<vmem>>, vector<2000x1xf32>
    tpu.vector_store %arg6[%swap3A, %swap3A_22], %add3A_21 {strides = array<i32>} : memref<2000x1xf32, #tpu.memory_space<vmem>>, vector<2000x1xf32>,
    return
  }
  func.func @transform_0(%arg0: i32) -> (i32, i32) {
    %c0_i32 = arith.constant 0 : i32
    %c0_i32_0 = arith.constant 0 : i32
    return %arg0, %c0_i32 : i32, i32
  }
  func.func @transform_1(%arg0: i32) -> (i32, i32) {
    %c0_i32 = arith.constant 0 : i32
    %c0_i32_0 = arith.constant 0 : i32
    %c0_i32_1 = arith.constant 0 : i32
    return %c0_i32, %c0_i32_0 : i32, i32
  }
  func.func @transform_2(%arg0: i32) -> (i32, i32) {
    %c0_i32 = arith.constant 0 : i32
    %c0_i32_0 = arith.constant 0 : i32
    %c0_i32_1 = arith.constant 0 : i32
    return %c0_i32, %c0_i32_0 : i32, i32
  }
  func.func @transform_3(%arg0: i32) -> (i32, i32) {
    %c0_i32 = arith.constant 0 : i32
    %c0_i32_0 = arith.constant 0 : i32
    %c0_i32_1 = arith.constant 0 : i32
    return %c0_i32, %c0_i32_0 : i32, i32
  }
  func.func @transform_4(%arg0: i32) -> (i32, i32) {
    %c0_i32 = arith.constant 0 : i32
    %c0_i32_0 = arith.constant 0 : i32
    %c0_i32_1 = arith.constant 0 : i32
    return %c0_i32, %c0_i32_0 : i32, i32
  }
  func.func @transform_5(%arg0: i32) -> (i32, i32) {
    %c0_i32 = arith.constant 0 : i32
    %c0_i32_0 = arith.constant 0 : i32
    return %arg0, %c0_i32 : i32, i32
  }
}

</mosaic_0001>

<sc_bundles>
// kernel: closed_call.19.cloned.1.call-start
scs
__scs_entry_jumppad:
0x0: {  	(pc) =	sbr.rel $0x88, $3  }
0x1: {  	(tag) =	ssettag $0x0;
	lr =	simm.s32 $0x1  }
0x2: {  	[smem:$0x3F89] =	sst lr;
	_ =	strace $0xD0000000  }
0x3: {  	_ = 	snop  }
0x4: {  	_ = 	snop  }
0x5: {  	_ = 	snop  }
0x6: {  	_ = 	snop  }
0x7: {  	_ = 	snop  }
__scs_overlays_trampoline_lowered:
0x8: {  	[smem:$0x3F98] =	sst s0  }
0x9: {  	[smem:$0x3F99] =	sst s1  }
0xa: {  	[smem:$0x3F9A] =	sst s2  }
0xb: {  	[smem:$0x3F9B] =	sst s3  }
0xc: {  	[smem:$0x3F9C] =	sst s4  }
0xd: {  	[smem:$0x3F9D] =	sst s5  }
0xe: {  	[smem:$0x3F9E] =	sst s6  }
0xf: {  	[smem:$0x3F9F] =	sst s7  }
0x10: {  	[smem:$0x3FA0] =	sst s8  }
0x11: {  	[smem:$0x3FA1] =	sst s9;
	s0 =	simm.s32 @!p0 $0x0  }
0x12: {  	s1 =	sld [smem:$0x3F87];
	s0 =	simm.s32 @p0 $0x1  }
0x13: {  	[smem:$0x3FA2] =	sst s0;
	s0 =	simm.s32 @!p1 $0x0  }
0x14: {  	s2 =	sld [smem:$0x3F86];
	s0 =	simm.s32 @p1 $0x1  }
0x15: {  	[smem:$0x3FA3] =	sst s0;
	s0 =	simm.s32 @!p2 $0x0  }
0x16: {  	s3 =	sld [smem:$0x3FDB];
	s0 =	simm.s32 @p2 $0x1  }
0x17: {  	s4 =	simm.s32 $0x1BF5;
	[smem:$0x3FA5] =	sst s0  }
0x18: {  	s0 =	sld [smem:$0x3F88];
	_ =	swait.ge [sflag:s4], $0x0  }
0x19: {  	s7 =	sld [smem:$0x3F89]  }
0x1a: {  	s8 =	sadd.s32 $0xFFFFE003, lr  }
0x1b: {  	s9 =	sadd.s32 $0xFFFFFEF7, lr;
	s5 =	simm.s32 $0xFFFFFFFF;
	p2 =	slt.u32 s8, $0xFFFFF086  }
0x1c: {  	p1 =	slt.u32 s9, $0xF7A;
	s5 =	simm.s32 @!p2 $0x0  }
0x1d: {  	s5 =	simm.s32 @p1 $0x1;
	p0 =	seq.s32 s7, s2  }
0x1e: {  	s7 =	smul.u32 @!p0 $0xF7A, s2;
	p2 =	seq.s32 @!p0 s5, $0x0  }
0x1f: {  	s9 =	smul.u32 $0xF7A, s1;
	s8 =	simm.s32 @!p0 $0x1BF5;
	p2 =	por !p2, p0  }
0x20: {  	[sflag:s8] =	ssyncset.s32 @!p0 $0xFFFFF086;
	s6 =	sadd.s32 @!p0 s3, s7;
	s7 =	simm.s32 @!p0 $0x108  }
0x21: {  	s3 =	sadd.s32 s3, s9;
	s6 =	sadd.s32 @!p0 $0x88, s6;
	s7 =	simm.s32 @p2 $0x1082  }
0x22: {  	[simem:s7], [sflag:s8] =	dma.local @!p0 [hbm:s6], $0xF7A  }
0x23: {  	s9 =	sor.u32 $0xD0000000, s2;
	s6 =	simm.s32 $0x108;
	_ =	swait.ge @!p0 [sflag:s8], $0x0  }
0x24: {  	s3 =	sadd.s32 $0x88, s3;
	s6 =	simm.s32 @!p1 $0x1082;
	[sflag:s4] =	ssyncset.s32 $0xFFFFF086  }
0x25: {  	[simem:s6], [sflag:s4] =	dma.local [hbm:s3], $0xF7A  }
0x26: {  	[smem:$0x3F89] =	sst s1;
	(tag) =	ssettag s2;
	_ =	strace s9  }
0x27: {  	s1 =	sld [smem:$0x3F99]  }
0x28: {  	s2 =	sld [smem:$0x3F9A]  }
0x29: {  	s4 =	sld [smem:$0x3F9C]  }
0x2a: {  	p0 =	seq.s32 s5, $0x0;
	s5 =	sld [smem:$0x3F9D]  }
0x2b: {  	s6 =	sld [smem:$0x3F9E]  }
0x2c: {  	s7 =	sld [smem:$0x3F9F]  }
0x2d: {  	s3 =	simm.s32 $0x108;
	s8 =	sld [smem:$0x3FA0]  }
0x2e: {  	s3 =	simm.s32 @!p0 $0x1082;
	s9 =	sld [smem:$0x3FA1]  }
0x2f: {  	lr =	sadd.s32 s0, s3;
	s0 =	sld [smem:$0x3F98]  }
0x30: {  	s3 =	sld [smem:$0x3F9B]  }
0x31: {  	[smem:$0x3FA4] =	sst s10  }
0x32: {  	s10 =	sld [smem:$0x3FA2];
	_ =	sdelay $0x3  }
0x33: {  	p0 =	seq.s32 s10, $0x1;
	s10 =	sld [smem:$0x3FA4];
	_ =	sdelay $0x3  }
0x34: {  	[smem:$0x3FA4] =	sst s10  }
0x35: {  	s10 =	sld [smem:$0x3FA3];
	_ =	sdelay $0x3  }
0x36: {  	p1 =	seq.s32 s10, $0x1;
	s10 =	sld [smem:$0x3FA4];
	_ =	sdelay $0x3  }
0x37: {  	[smem:$0x3FA4] =	sst s10  }
0x38: {  	s10 =	sld [smem:$0x3FA5]  }
0x39: {  	_ = 	snop;
	(pc) =	sbr.ind lr, $3  }
0x3a: {  	_ = 	snop  }
0x3b: {  	_ = 	snop  }
0x3c: {  	p2 =	seq.s32 s10, $0x1;
	s10 =	sld [smem:$0x3FA4]  }
0x3d: {  	_ =	shalt  }
0x3e: {  	_ =	shalt  }
0x3f: {  	_ =	shalt  }
0x40: {  	_ =	shalt  }
0x41: {  	_ =	shalt  }
0x42: {  	_ =	shalt  }
0x43: {  	_ =	shalt  }
0x44: {  	_ =	shalt  }
0x45: {  	_ =	shalt  }
0x46: {  	_ =	shalt  }
0x47: {  	_ =	shalt  }
0x48: {  	_ =	shalt  }
0x49: {  	_ =	shalt  }
0x4a: {  	_ =	shalt  }
0x4b: {  	_ =	shalt  }
0x4c: {  	_ =	shalt  }
0x4d: {  	_ =	shalt  }
0x4e: {  	_ =	shalt  }
0x4f: {  	_ =	shalt  }
0x50: {  	_ =	shalt  }
0x51: {  	_ =	shalt  }
0x52: {  	_ =	shalt  }
0x53: {  	_ =	shalt  }
0x54: {  	_ =	shalt  }
0x55: {  	_ =	shalt  }
0x56: {  	_ =	shalt  }
0x57: {  	_ =	shalt  }
0x58: {  	_ =	shalt  }
0x59: {  	_ =	shalt  }
0x5a: {  	_ =	shalt  }
0x5b: {  	_ =	shalt  }
0x5c: {  	_ =	shalt  }
0x5d: {  	_ =	shalt  }
0x5e: {  	_ =	shalt  }
0x5f: {  	_ =	shalt  }
0x60: {  	_ =	shalt  }
0x61: {  	_ =	shalt  }
0x62: {  	_ =	shalt  }
0x63: {  	_ =	shalt  }
0x64: {  	_ =	shalt  }
0x65: {  	_ =	shalt  }
0x66: {  	_ =	shalt  }
0x67: {  	_ =	shalt  }
0x68: {  	_ =	shalt  }
0x69: {  	_ =	shalt  }
0x6a: {  	_ =	shalt  }
0x6b: {  	_ =	shalt  }
0x6c: {  	_ =	shalt  }
0x6d: {  	_ =	shalt  }
0x6e: {  	_ =	shalt  }
0x6f: {  	_ =	shalt  }
0x70: {  	_ =	shalt  }
0x71: {  	_ =	shalt  }
0x72: {  	_ =	shalt  }
0x73: {  	_ =	shalt  }
0x74: {  	_ =	shalt  }
0x75: {  	_ =	shalt  }
0x76: {  	_ =	shalt  }
0x77: {  	_ =	shalt  }
0x78: {  	_ =	shalt  }
0x79: {  	_ =	shalt  }
0x7a: {  	_ =	shalt  }
0x7b: {  	_ =	shalt  }
0x7c: {  	_ =	shalt  }
0x7d: {  	_ =	shalt  }
0x7e: {  	_ =	shalt  }
0x7f: {  	_ =	shalt  }
0x80: {  	_ =	shalt  }
0x81: {  	_ =	shalt  }
0x82: {  	_ =	shalt  }
0x83: {  	_ =	shalt  }
0x84: {  	_ =	shalt  }
0x85: {  	_ =	shalt  }
0x86: {  	_ =	shalt  }
0x87: {  	_ =	shalt  }
.Lfunc_end0:
.L_simem_size_0:
called_computation_lowered:
.L_overlay_start_0:
0x88: {  	s2 =	sld [smem:$0x3FD9]  }
0x89: {  	s3 =	sld [smem:$0x3FFE];
	_ =	sdelay $0x1  }
0x8a: {  	s1 =	srdreg.scid  }
0x8b: {  	s0 =	sand.u32 $0x1, s1  }
0x8c: {  	s16 =	sshll.u32 s0, $0xA;
	s2 =	sadd.s32 s3, s2  }
0x8d: {  	s2 =	sadd.s32 s2, s16  }
0x8e: {  	[smem:$0x3FB0] =	sst s2  }
0x8f: {  	_ = 	snop  }
0x90: {  	(tm) =	ssettm $0x1  }
0x91: {  	s17 =	sld [smem:$0x3FFB];
	_ =	sdelay $0x3  }
0x92: {  	_ =	strace s17  }
0x93: {  	s2 =	sld [smem:$0x3FFC];
	_ =	sdelay $0x3  }
0x94: {  	_ =	strace s2  }
0x95: {  	s2 =	sld [smem:$0x3FFD];
	_ =	sdelay $0x3  }
0x96: {  	_ =	strace s2  }
0x97: {  	_ =	strace $0x8FFFFFFF  }
0x98: {  	s18 =	sld [smem:$0x3FDB];
	_ =	sdelay $0x1  }
0x99: {  	s19 =	simm.s32 $_scs_section_size  }
0x9a: {  	s4 =	simm.s32 $_size__tile_overlayer_lowered;
	s5 =	simm.s32 $_tile_overlayer_lowered  }
0x9b: {  	s22 =	simm.s32 $0x1BFF;
	s21 =	sshll.u32 s5, $0x1;
	s2 =	sadd.s32 s19, s18  }
0x9c: {  	s6 =	simm.s32 $0x0;
	s20 =	sshll.u32 s4, $0x1;
	s4 =	sadd.s32 s21, s2  }
0x9d: {  	[timem:s6], [sflag:s22] =	dma.local [hbm:s4], s20  }
0x9e: {  	_ =	swait.ge [sflag:s22], s20  }
0x9f: {  	s3 =	ssub.s32 $0x0, s20;
	[sflag:s22] =	ssyncset.done $0x0  }
0xa0: {  	[sflag:s22] =	ssyncadd.s32 s3;
	_ =	sdelay $0x1  }
0xa1: {  	s23 =	simm.s32 $0x1B8B  }
0xa2: {  	_ =	swait.ge [sflag:s23], $0x1  }
0xa3: {  	[sflag:s23] =	ssyncset.done $0x0  }
0xa4: {  	s25 =	simm.s32 $0x1B8E;
	s24 =	sld [smem:$0x3FFE];
	[sflag:s23] =	ssyncadd.s32 $0xFFFFFFFF  }
0xa5: {  	s26 =	simm.s32 $execute0_lowered;
	[smem:$0x3FD2] =	sst s25  }
0xa6: {  	s4 =	sshll.u32 s26, $0x1;
	_ =	strace $0x80000046;
	[dreg:$0x1] =	wrdreg $0xFFFFFFFF  }
0xa7: {  	s28 =	simm.s32 $_size_execute0_lowered;
	s2 =	sadd.s32 s2, s4;
	[dreg:$0x0] =	wrdreg $0x0  }
0xa8: {  	s4 =	sshll.u32 s28, $0x1;
	[dreg:$0x2] =	wrdreg s2  }
0xa9: {  	[dreg:$0x3] =	wrdreg s4  }
0xaa: {  	[dreg:$0x4] =	wrdreg $0xC0  }
0xab: {  	_ =	task [dreg:s6], $0x5FFFF  }
0xac: {  	[dreg:$0x1] =	wrdreg $0xFFFFFFFF  }
0xad: {  	[dreg:$0x0] =	wrdreg $0x60  }
0xae: {  	[dreg:$0x2] =	wrdreg s24  }
0xaf: {  	[dreg:$0x3] =	wrdreg $0x0  }
0xb0: {  	[dreg:$0x4] =	wrdreg $0x9  }
0xb1: {  	_ =	task.clear_ibuf [dreg:s6], $0x5FFFF;
	_ =	strace $0x90000046  }
0xb2: {  	s29 =	simm.s32 $0x9;
	_ =	strace $0x80000048  }
0xb3: {  	_ =	swait.ge [sflag:s29], $0x1  }
0xb4: {  	[sflag:s29] =	ssyncadd.s32 $0xFFFFFFFF  }
0xb5: {  	_ =	strace $0x90000048  }
0xb6: {  	_ =	sfence  }
0xb7: {  	s30 =	sld [smem:$0x0];
	_ =	sdelay $0x2  }
0xb8: {  	s31 =	sshll.u32 s1, $0xD;
	s1 =	sshrl.u32 s1, $0x2  }
0xb9: {  	s3 =	sand.u32 $0x4000, s31;
	s1 =	sadd.s32 s1, s30  }
0xba: {  	s0 =	sor.u32 s3, s0;
	s1 =	sshll.u32 s1, $0x11  }
0xbb: {  	s0 =	sor.u32 s1, s0  }
0xbc: {  	s0 =	sadd.s32 $0x8F2B, s0  }
0xbd: {  	[sflag:s0] =	ssyncadd.remote.s32 $0x1  }
0xbe: {  	_ =	sfence.sel $0xFFFF  }
0xbf: {  	[dreg:$0x0] =	wrdreg $0xFFFFFFFF;
	(pc) =	sbr.abs _section_cstart, $3  }
0xc0: {  	[dreg:$0x1] =	wrdreg $0xFFFFFFFF  }
0xc1: {  	_ =	task.clear_ibuf [dreg:s6], $0x2FFFF;
	_ =	strace $0x9FFFFFFF  }
0xc2: {  	(tm) =	ssettm $0x7FFFFFFF  }
0xc3: {  	_ =	shalt  }
tec
execute0_lowered:
.L_overlay_start_1:
0x0: {  	(tag) =	ssettag $0x1  }
0x1: {  	s0 =	rddreg [dreg:$0x0]  }
0x2: {  	s1 =	rddreg [dreg:$0x1];
	s3 =	simm.s32 $0x0;
	s11 =	stileid.u32  }
0x3: {  	s5 =	srdreg.scid;
	s4 =	sadd.s32 $0x37C800, s0;
	s2 =	sadd.s32 $0x31A800, s0  }
0x4: {  	[smem:$0x7FF] =	sst s3;
	s6 =	smul.u32 $0x62000, s11;
	s0 =	sadd.s32 $0x3DE400, s0  }
0x5: {  	s7 =	sand.u32 $0x1, s5;
	s8 =	smul.u32 $0x18800, s11;
	p0 =	seq.s32 s11, $0xF  }
0x6: {  	s11 =	simm.s32 $0x3;
	s9 =	ssub.s32 $0x2, s7;
	s24 =	smul.u32 $0x186A00, s7  }
0x7: {  	s7 =	smul.u32 $0x188000, s7;
	s23 =	sshrl.u32 s6, $0x2;
	s10 =	sshrl.u32 s9, $0x1  }
0x8: {  	_ =	strace $0x80000047;
	s5 =	sadd.s32 s23, s1;
	s9 =	ssub.s32 s9, s10  }
0x9: {  	s26 =	sadd.s32 s8, s24;
	s7 =	sadd.s32 s8, s7;
	s25 =	sadd.s32 $0x18000, s5  }
0xa: {  	s6 =	sshrl.u32 s24, $0x3;
	s12 =	smax.u32 s9, $0x1;
	[dreg:$0x3] =	wrdreg s25  }
0xb: {  	s8 =	sadd.s32 s8, s1;
	s13 =	sadd.s32 $0x1000, s5;
	[dreg:$0x6] =	wrdreg s12  }
0xc: {  	s10 =	sshrl.u32 s26, $0x3;
	s14 =	sadd.s32 $0x2000, s5;
	[dreg:$0x7] =	wrdreg s13  }
0xd: {  	s15 =	sadd.s32 $0x3000, s5;
	s16 =	sadd.s32 $0x4000, s5;
	[dreg:$0x8] =	wrdreg s14  }
0xe: {  	s17 =	sadd.s32 $0x5000, s5;
	s18 =	sadd.s32 $0x6000, s5;
	[dreg:$0x9] =	wrdreg s15  }
0xf: {  	s19 =	sadd.s32 $0x7000, s5;
	s20 =	sadd.s32 $0x8000, s5;
	[dreg:$0xa] =	wrdreg s16  }
0x10: {  	s21 =	sadd.s32 $0x9000, s5;
	s22 =	sadd.s32 $0xA000, s5;
	[dreg:$0xb] =	wrdreg s17  }
0x11: {  	s23 =	sshrl.u32 s7, $0x3;
	s7 =	sor.u32 $0x200, s7;
	[dreg:$0xc] =	wrdreg s18  }
0x12: {  	s24 =	sadd.s32 $0xB000, s5;
	s26 =	sadd.s32 $0xC000, s5;
	[dreg:$0xd] =	wrdreg s19  }
0x13: {  	s28 =	sadd.s32 $0xE000, s5;
	s29 =	sadd.s32 $0xF000, s5;
	[dreg:$0xe] =	wrdreg s20  }
0x14: {  	s30 =	sadd.s32 $0x10000, s5;
	s31 =	sadd.s32 $0x11000, s5;
	[dreg:$0xf] =	wrdreg s21  }
0x15: {  	s9 =	sadd.s32 $0x17000, s5;
	s10 =	sadd.s32 s0, s10;
	[dreg:$0x10] =	wrdreg s22  }
0x16: {  	s0 =	sadd.s32 s0, s6;
	[dreg:$0x11] =	wrdreg s24;
	s6 =	sadd.s32 s2, s23  }
0x17: {  	s25 =	sshrl.u32 s7, $0x3;
	[dreg:$0x13] =	wrdreg s26;
	s26 =	sadd.s32 $0xD000, s5  }
0x18: {  	s7 =	sadd.s32 $0x15000, s5;
	s12 =	simm.s32 $0x18800;
	s13 =	simm.s32 $0x80  }
0x19: {  	s14 =	simm.s32 $0x19C00;
	s15 =	simm.s32 $0x2;
	s16 =	simm.s32 $0x1  }
0x1a: {  	s17 =	simm.s32 $0x0;
	[dreg:$0x4] =	wrdreg s10;
	s0 =	sadd.s32 $0x2DF00, s0  }
0x1b: {  	[dreg:$0x12] =	wrdreg s6;
	s22 =	sadd.s32 s25, s2;
	s25 =	sshrl.u32 @!p0 s8, $0x3  }
0x1c: {  	s2 =	sadd.s32 $0x13000, s5;
	[dreg:$0x5] =	wrdreg s0;
	s0 =	sadd.s32 $0x16F800, s1  }
0x1d: {  	s6 =	sadd.s32 $0x14000, s5;
	s8 =	sadd.s32 $0x16000, s5;
	s0 =	sshrl.u32 @p0 s0, $0x3  }
0x1e: {  	v0 =	vimm.f32 $0.0e+00;
	s10 =	simm.s32 $0x18C00;
	[dreg:$0x14] =	wrdreg s0;
	s0 =	sadd.s32 $0x12000, s5  }
.LBB2_1:
0x1f: {  	s18 =	simm.s32 $0x80;
	s19 =	simm.s32 $0x0  }
.LBB2_2:
0x20: {  	p1 =	sne.s32 s18, $0x3F80;
	[tilespmem:s19+$0x18C00] =	vst v0;
	s20 =	smov.u32 s18;
	s18 =	sadd.s32 $0x80, s18  }
.Ltmp0:
0x21: {  	[tilespmem:s19+$0x18C10] =	vst v0;
	(pc) =	sbr.rel @p1 .LBB2_2-.Ltmp0, $2  }
0x22: {  	_ =	sdelay $0x2  }
0x23: {  	s19 =	sshra.s32 s20, $0x2  }
0x24: {  	[tilespmem:s19+$0x18C00] =	vst v0  }
0x25: {  	[tilespmem:s19+$0x18C10] =	vst v0  }
0x26: {  	[spmem:s5] =	stream.linear.scatter [tilespmem:s10], [sflag:$0x3], $0x1000, $0x38;
	[tilespmem:$0x1CC00] =	vst v63  }
0x27: {  	_ =	swait.ge [sflag:s11], $0x1000  }
0x28: {  	[sflag:s11] =	ssyncset.done $0x0  }
0x29: {  	s18 =	rddreg [dreg:$0x7];
	[sflag:s11] =	ssyncadd.s32 $0xFFFFF000  }
0x2a: {  	[spmem:s18] =	stream.linear.scatter [tilespmem:s10], [sflag:$0x3], $0x1000, $0x38;
	[tilespmem:$0x1CC00] =	vst v63  }
0x2b: {  	_ =	swait.ge [sflag:s11], $0x1000  }
0x2c: {  	[sflag:s11] =	ssyncset.done $0x0  }
0x2d: {  	s19 =	rddreg [dreg:$0x8];
	[sflag:s11] =	ssyncadd.s32 $0xFFFFF000  }
0x2e: {  	[spmem:s19] =	stream.linear.scatter [tilespmem:s10], [sflag:$0x3], $0x1000, $0x38;
	[tilespmem:$0x1CC00] =	vst v63  }
0x2f: {  	_ =	swait.ge [sflag:s11], $0x1000  }
0x30: {  	[sflag:s11] =	ssyncset.done $0x0  }
0x31: {  	s20 =	rddreg [dreg:$0x9];
	[sflag:s11] =	ssyncadd.s32 $0xFFFFF000  }
0x32: {  	[spmem:s20] =	stream.linear.scatter [tilespmem:s10], [sflag:$0x3], $0x1000, $0x38;
	[tilespmem:$0x1CC00] =	vst v63  }
0x33: {  	_ =	swait.ge [sflag:s11], $0x1000  }
0x34: {  	[sflag:s11] =	ssyncset.done $0x0  }
0x35: {  	s21 =	rddreg [dreg:$0xa];
	[sflag:s11] =	ssyncadd.s32 $0xFFFFF000  }
0x36: {  	[spmem:s21] =	stream.linear.scatter [tilespmem:s10], [sflag:$0x3], $0x1000, $0x38;
	[tilespmem:$0x1CC00] =	vst v63  }
0x37: {  	_ =	swait.ge [sflag:s11], $0x1000  }
0x38: {  	[sflag:s11] =	ssyncset.done $0x0  }
0x39: {  	s23 =	rddreg [dreg:$0xb];
	[sflag:s11] =	ssyncadd.s32 $0xFFFFF000  }
0x3a: {  	[spmem:s23] =	stream.linear.scatter [tilespmem:s10], [sflag:$0x3], $0x1000, $0x38;
	[tilespmem:$0x1CC00] =	vst v63  }
0x3b: {  	_ =	swait.ge [sflag:s11], $0x1000  }
0x3c: {  	[sflag:s11] =	ssyncset.done $0x0  }
0x3d: {  	s24 =	rddreg [dreg:$0xc];
	[sflag:s11] =	ssyncadd.s32 $0xFFFFF000  }
0x3e: {  	[spmem:s24] =	stream.linear.scatter [tilespmem:s10], [sflag:$0x3], $0x1000, $0x38;
	[tilespmem:$0x1CC00] =	vst v63  }
0x3f: {  	_ =	swait.ge [sflag:s11], $0x1000  }
0x40: {  	[sflag:s11] =	ssyncset.done $0x0  }
0x41: {  	s19 =	rddreg [dreg:$0xd];
	[sflag:s11] =	ssyncadd.s32 $0xFFFFF000  }
0x42: {  	[spmem:s19] =	stream.linear.scatter [tilespmem:s10], [sflag:$0x3], $0x1000, $0x38;
	[tilespmem:$0x1CC00] =	vst v63  }
0x43: {  	_ =	swait.ge [sflag:s11], $0x1000  }
0x44: {  	[sflag:s11] =	ssyncset.done $0x0  }
0x45: {  	s20 =	rddreg [dreg:$0xe];
	[sflag:s11] =	ssyncadd.s32 $0xFFFFF000  }
0x46: {  	[spmem:s20] =	stream.linear.scatter [tilespmem:s10], [sflag:$0x3], $0x1000, $0x38;
	[tilespmem:$0x1CC00] =	vst v63  }
0x47: {  	_ =	swait.ge [sflag:s11], $0x1000  }
0x48: {  	[sflag:s11] =	ssyncset.done $0x0  }
0x49: {  	s21 =	rddreg [dreg:$0xf];
	[sflag:s11] =	ssyncadd.s32 $0xFFFFF000  }
0x4a: {  	[spmem:s21] =	stream.linear.scatter [tilespmem:s10], [sflag:$0x3], $0x1000, $0x38;
	[tilespmem:$0x1CC00] =	vst v63  }
0x4b: {  	_ =	swait.ge [sflag:s11], $0x1000  }
0x4c: {  	[sflag:s11] =	ssyncset.done $0x0  }
0x4d: {  	s23 =	rddreg [dreg:$0x10];
	[sflag:s11] =	ssyncadd.s32 $0xFFFFF000  }
0x4e: {  	[spmem:s23] =	stream.linear.scatter [tilespmem:s10], [sflag:$0x3], $0x1000, $0x38;
	[tilespmem:$0x1CC00] =	vst v63  }
0x4f: {  	_ =	swait.ge [sflag:s11], $0x1000  }
0x50: {  	[sflag:s11] =	ssyncset.done $0x0  }
0x51: {  	s24 =	rddreg [dreg:$0x11];
	[sflag:s11] =	ssyncadd.s32 $0xFFFFF000  }
0x52: {  	[spmem:s24] =	stream.linear.scatter [tilespmem:s10], [sflag:$0x3], $0x1000, $0x38;
	[tilespmem:$0x1CC00] =	vst v63  }
0x53: {  	_ =	swait.ge [sflag:s11], $0x1000  }
0x54: {  	[sflag:s11] =	ssyncset.done $0x0  }
0x55: {  	s19 =	rddreg [dreg:$0x13];
	[sflag:s11] =	ssyncadd.s32 $0xFFFFF000  }
0x56: {  	[spmem:s19] =	stream.linear.scatter [tilespmem:s10], [sflag:$0x3], $0x1000, $0x38;
	[tilespmem:$0x1CC00] =	vst v63  }
0x57: {  	_ =	swait.ge [sflag:s11], $0x1000  }
0x58: {  	[sflag:s11] =	ssyncset.done $0x0  }
0x59: {  	[sflag:s11] =	ssyncadd.s32 $0xFFFFF000  }
0x5a: {  	[spmem:s26] =	stream.linear.scatter [tilespmem:s10], [sflag:$0x3], $0x1000, $0x38;
	[tilespmem:$0x1CC00] =	vst v63  }
0x5b: {  	_ =	swait.ge [sflag:s11], $0x1000  }
0x5c: {  	[sflag:s11] =	ssyncset.done $0x0  }
0x5d: {  	[sflag:s11] =	ssyncadd.s32 $0xFFFFF000  }
0x5e: {  	[spmem:s28] =	stream.linear.scatter [tilespmem:s10], [sflag:$0x3], $0x1000, $0x38;
	[tilespmem:$0x1CC00] =	vst v63  }
0x5f: {  	_ =	swait.ge [sflag:s11], $0x1000  }
0x60: {  	[sflag:s11] =	ssyncset.done $0x0  }
0x61: {  	[sflag:s11] =	ssyncadd.s32 $0xFFFFF000  }
0x62: {  	[spmem:s29] =	stream.linear.scatter [tilespmem:s10], [sflag:$0x3], $0x1000, $0x38;
	[tilespmem:$0x1CC00] =	vst v63  }
0x63: {  	_ =	swait.ge [sflag:s11], $0x1000  }
0x64: {  	[sflag:s11] =	ssyncset.done $0x0  }
0x65: {  	[sflag:s11] =	ssyncadd.s32 $0xFFFFF000  }
0x66: {  	[spmem:s30] =	stream.linear.scatter [tilespmem:s10], [sflag:$0x3], $0x1000, $0x38;
	[tilespmem:$0x1CC00] =	vst v63  }
0x67: {  	_ =	swait.ge [sflag:s11], $0x1000  }
0x68: {  	[sflag:s11] =	ssyncset.done $0x0  }
0x69: {  	[sflag:s11] =	ssyncadd.s32 $0xFFFFF000  }
0x6a: {  	[spmem:s31] =	stream.linear.scatter [tilespmem:s10], [sflag:$0x3], $0x1000, $0x38;
	[tilespmem:$0x1CC00] =	vst v63  }
0x6b: {  	_ =	swait.ge [sflag:s11], $0x1000  }
0x6c: {  	[sflag:s11] =	ssyncset.done $0x0  }
0x6d: {  	[sflag:s11] =	ssyncadd.s32 $0xFFFFF000  }
0x6e: {  	[spmem:s0] =	stream.linear.scatter [tilespmem:s10], [sflag:$0x3], $0x1000, $0x38;
	[tilespmem:$0x1CC00] =	vst v63  }
0x6f: {  	_ =	swait.ge [sflag:s11], $0x1000  }
0x70: {  	[sflag:s11] =	ssyncset.done $0x0  }
0x71: {  	[sflag:s11] =	ssyncadd.s32 $0xFFFFF000  }
0x72: {  	[spmem:s2] =	stream.linear.scatter [tilespmem:s10], [sflag:$0x3], $0x1000, $0x38;
	[tilespmem:$0x1CC00] =	vst v63  }
0x73: {  	_ =	swait.ge [sflag:s11], $0x1000  }
0x74: {  	[sflag:s11] =	ssyncset.done $0x0  }
0x75: {  	[sflag:s11] =	ssyncadd.s32 $0xFFFFF000  }
0x76: {  	[spmem:s6] =	stream.linear.scatter [tilespmem:s10], [sflag:$0x3], $0x1000, $0x38;
	[tilespmem:$0x1CC00] =	vst v63  }
0x77: {  	_ =	swait.ge [sflag:s11], $0x1000  }
0x78: {  	[sflag:s11] =	ssyncset.done $0x0  }
0x79: {  	[sflag:s11] =	ssyncadd.s32 $0xFFFFF000  }
0x7a: {  	[spmem:s7] =	stream.linear.scatter [tilespmem:s10], [sflag:$0x3], $0x1000, $0x38;
	[tilespmem:$0x1CC00] =	vst v63  }
0x7b: {  	_ =	swait.ge [sflag:s11], $0x1000  }
0x7c: {  	[sflag:s11] =	ssyncset.done $0x0  }
0x7d: {  	[sflag:s11] =	ssyncadd.s32 $0xFFFFF000  }
0x7e: {  	[spmem:s8] =	stream.linear.scatter [tilespmem:s10], [sflag:$0x3], $0x1000, $0x38;
	[tilespmem:$0x1CC00] =	vst v63  }
0x7f: {  	_ =	swait.ge [sflag:s11], $0x1000  }
0x80: {  	[sflag:s11] =	ssyncset.done $0x0  }
0x81: {  	[sflag:s11] =	ssyncadd.s32 $0xFFFFF000  }
0x82: {  	[spmem:s9] =	stream.linear.scatter [tilespmem:s10], [sflag:$0x3], $0x1000, $0x38;
	[tilespmem:$0x1CC00] =	vst v63  }
0x83: {  	_ =	swait.ge [sflag:s11], $0x1000  }
0x84: {  	[sflag:s11] =	ssyncset.done $0x0  }
0x85: {  	s20 =	rddreg [dreg:$0x3];
	[sflag:s11] =	ssyncadd.s32 $0xFFFFF000  }
0x86: {  	[spmem:s20] =	stream.linear.scatter [tilespmem:s10], [sflag:$0x3], $0x800, $0x38;
	[tilespmem:$0x1CC00] =	vst v63  }
0x87: {  	_ =	swait.ge [sflag:s11], $0x800  }
0x88: {  	[sflag:s11] =	ssyncset.done $0x0  }
0x89: {  	[sflag:s11] =	ssyncadd.s32 $0xFFFFF800  }
0x8a: {  	[bflag:$0x0] =	sbarrier.arrive $0xFFFF  }
0x8b: {  	s21 =	rddreg [dreg:$0x12]  }
0x8c: {  	[tilespmem:s12], [sflag:$0x3] =	stream.linear.gather [hbm4b:s21+s3], $0x200, $0x38;
	[tilespmem:$0x1CC00] =	vst v63  }
0x8d: {  	_ =	swait.ge [sflag:s11], $0x200  }
0x8e: {  	[sflag:s11] =	ssyncset.done $0x0  }
0x8f: {  	[sflag:s11] =	ssyncadd.s32 $0xFFFFFE00  }
0x90: {  	[tilespmem:s10], [sflag:$0x1] =	stream.indirect.gather [hbm4b:s4+s13], $0x20, s12, s13, $0xb8;
	[tilespmem:$0x1CC00] =	vst v63  }
0x91: {  	s23 =	simm.s32 $0x18900;
	s24 =	simm.s32 $0x1  }
0x92: {  	[tilespmem:s14], [sflag:$0x1] =	stream.indirect.gather [hbm4b:s4+s13], $0x20, s23, s13, $0xb8;
	[tilespmem:$0x1CC00] =	vst v63  }
0x93: {  	_ =	swait.ge [sflag:s24], $0x1000  }
0x94: {  	[sflag:s24] =	ssyncset.done $0x0  }
0x95: {  	[sflag:s24] =	ssyncadd.s32 $0xFFFFF000  }
0x96: {  	_ =	swait.ge [sflag:s24], $0x1000  }
0x97: {  	[sflag:s24] =	ssyncset.done $0x0  }
0x98: {  	s20 =	simm.s32 $0x18880;
	[sflag:s24] =	ssyncadd.s32 $0xFFFFF000  }
0x99: {  	[spmem:s1] =	stream.indirect.scatter.add.f32 [tilespmem:s10], [sflag:$0x2], $0x20, s20, s13, $0xb8;
	[tilespmem:$0x1CC00] =	vst v63  }
0x9a: {  	s21 =	simm.s32 $0x18980  }
0x9b: {  	[spmem:s1] =	stream.indirect.scatter.add.f32 [tilespmem:s14], [sflag:$0x2], $0x20, s21, s13, $0xb8;
	[tilespmem:$0x1CC00] =	vst v63  }
0x9c: {  	_ =	swait.ge [sflag:s15], $0x1000  }
0x9d: {  	[sflag:s15] =	ssyncset.done $0x0  }
0x9e: {  	[sflag:s15] =	ssyncadd.s32 $0xFFFFF000  }
0x9f: {  	s18 =	sand.u32 $0x1, s24;
	_ =	swait.ge [sflag:s15], $0x1000  }
0xa0: {  	s19 =	sshll.u32 s18, $0x9;
	[sflag:s15] =	ssyncset.done $0x0  }
0xa1: {  	s20 =	sor.u32 $0x18800, s19;
	[sflag:s15] =	ssyncadd.s32 $0xFFFFF000  }
0xa2: {  	[tilespmem:s20], [sflag:$0x3] =	stream.linear.gather [hbm4b:s22+s3], $0x200, $0x38;
	[tilespmem:$0x1CC00] =	vst v63  }
0xa3: {  	_ =	swait.ge [sflag:s11], $0x200  }
0xa4: {  	s18 =	sshll.u32 s18, $0xD;
	[sflag:s11] =	ssyncset.done $0x0  }
0xa5: {  	s21 =	sor.u32 $0x18C00, s18;
	[sflag:s11] =	ssyncadd.s32 $0xFFFFFE00  }
0xa6: {  	[tilespmem:s21], [sflag:$0x1] =	stream.indirect.gather [hbm4b:s4+s13], $0x20, s20, s13, $0xb8;
	[tilespmem:$0x1CC00] =	vst v63  }
0xa7: {  	s23 =	sor.u32 $0x18900, s19;
	s20 =	sor.u32 $0x19C00, s18  }
0xa8: {  	[tilespmem:s20], [sflag:$0x1] =	stream.indirect.gather [hbm4b:s4+s13], $0x20, s23, s13, $0xb8;
	[tilespmem:$0x1CC00] =	vst v63  }
0xa9: {  	_ =	swait.ge [sflag:s16], $0x1000  }
0xaa: {  	[sflag:s16] =	ssyncset.done $0x0  }
0xab: {  	[sflag:s16] =	ssyncadd.s32 $0xFFFFF000  }
0xac: {  	_ =	swait.ge [sflag:s16], $0x1000  }
0xad: {  	[sflag:s16] =	ssyncset.done $0x0  }
0xae: {  	s24 =	sor.u32 $0x18880, s19;
	[sflag:s16] =	ssyncadd.s32 $0xFFFFF000  }
0xaf: {  	[spmem:s1] =	stream.indirect.scatter.add.f32 [tilespmem:s21], [sflag:$0x2], $0x20, s24, s13, $0xb8;
	[tilespmem:$0x1CC00] =	vst v63  }
0xb0: {  	s18 =	simm.s32 $0x2;
	s21 =	sor.u32 $0x18980, s19;
	s19 =	sadd.s32 $0x40, s22  }
.LBB2_4:
0xb1: {  	[spmem:s1] =	stream.indirect.scatter.add.f32 [tilespmem:s20], [sflag:$0x2], $0x20, s21, s13, $0xb8;
	[tilespmem:$0x1CC00] =	vst v63  }
0xb2: {  	s20 =	smov.u32 s18  }
0xb3: {  	p1 =	sne.s32 s18, $0xC3;
	s18 =	sadd.s32 $0x1, s18;
	_ =	swait.ge [sflag:s15], $0x1000  }
0xb4: {  	[sflag:s15] =	ssyncset.done $0x0  }
0xb5: {  	[sflag:s15] =	ssyncadd.s32 $0xFFFFF000  }
0xb6: {  	s20 =	sand.u32 $0x1, s20;
	_ =	swait.ge [sflag:s15], $0x1000  }
0xb7: {  	s21 =	sshll.u32 s20, $0x9;
	s20 =	sshll.u32 s20, $0xD;
	[sflag:s15] =	ssyncset.done $0x0  }
0xb8: {  	s23 =	sor.u32 $0x18800, s21;
	[sflag:s15] =	ssyncadd.s32 $0xFFFFF000  }
0xb9: {  	[tilespmem:s23], [sflag:$0x3] =	stream.linear.gather [hbm4b:s19+s3], $0x200, $0x38;
	[tilespmem:$0x1CC00] =	vst v63  }
0xba: {  	_ =	swait.ge [sflag:s11], $0x200  }
0xbb: {  	[sflag:s11] =	ssyncset.done $0x0  }
0xbc: {  	s24 =	sor.u32 $0x18C00, s20;
	[sflag:s11] =	ssyncadd.s32 $0xFFFFFE00  }
0xbd: {  	[tilespmem:s24], [sflag:$0x1] =	stream.indirect.gather [hbm4b:s4+s13], $0x20, s23, s13, $0xb8;
	[tilespmem:$0x1CC00] =	vst v63  }
0xbe: {  	s20 =	sor.u32 $0x19C00, s20;
	s23 =	sor.u32 $0x18900, s21  }
0xbf: {  	[tilespmem:s20], [sflag:$0x1] =	stream.indirect.gather [hbm4b:s4+s13], $0x20, s23, s13, $0xb8;
	[tilespmem:$0x1CC00] =	vst v63  }
0xc0: {  	_ =	swait.ge [sflag:s16], $0x1000  }
0xc1: {  	[sflag:s16] =	ssyncset.done $0x0  }
0xc2: {  	[sflag:s16] =	ssyncadd.s32 $0xFFFFF000  }
.Ltmp1:
0xc3: {  	_ =	swait.ge [sflag:s16], $0x1000;
	(pc) =	sbr.rel @p1 .LBB2_4-.Ltmp1, $4  }
0xc4: {  	[sflag:s16] =	ssyncset.done $0x0  }
0xc5: {  	s23 =	sor.u32 $0x18880, s21;
	[sflag:s16] =	ssyncadd.s32 $0xFFFFF000  }
0xc6: {  	[spmem:s1] =	stream.indirect.scatter.add.f32 [tilespmem:s24], [sflag:$0x2], $0x20, s23, s13, $0xb8;
	[tilespmem:$0x1CC00] =	vst v63  }
0xc7: {  	s19 =	sadd.s32 $0x40, s19;
	s21 =	sor.u32 $0x18980, s21  }
0xc8: {  	[spmem:s1] =	stream.indirect.scatter.add.f32 [tilespmem:s20], [sflag:$0x2], $0x20, s21, s13, $0xb8;
	[tilespmem:$0x1CC00] =	vst v63  }
0xc9: {  	_ =	swait.ge [sflag:s15], $0x1000  }
0xca: {  	[sflag:s15] =	ssyncset.done $0x0  }
0xcb: {  	[sflag:s15] =	ssyncadd.s32 $0xFFFFF000  }
0xcc: {  	_ =	swait.ge [sflag:s15], $0x1000  }
0xcd: {  	[sflag:s15] =	ssyncset.done $0x0  }
0xce: {  	[sflag:s15] =	ssyncadd.s32 $0xFFFFF000  }
0xcf: {  	[bflag:$0x0] =	sbarrier.arrive $0xFFFF  }
0xd0: {  	s19 =	rddreg [dreg:$0x5]  }
0xd1: {  	s18 =	simm.s32 @p0 $0x1FC3;
	s20 =	rddreg [dreg:$0x14]  }
0xd2: {  	[hbm:s19], [sflag:s18] =	dma.local @p0 [spmem:s20], $0x2E40  }
0xd3: {  	s18 =	simm.s32 @p0 $0x3  }
0xd4: {  	s19 =	stileid.u32;
	_ =	swait.ge @p0 [sflag:s18], $0x2E40  }
0xd5: {  	s19 =	sshll.u32 @!p0 s19, $0x6;
	[sflag:s18] =	ssyncset.done @p0 $0x0  }
0xd6: {  	[sflag:s18] =	ssyncadd.s32 @p0 $0xFFFFD1C0;
	s18 =	sor.u32 @!p0 $0x1C03, s19;
	s19 =	rddreg [dreg:$0x4]  }
0xd7: {  	[hbm:s19], [sflag:s18] =	dma.local @!p0 [spmem:s25], $0x3100  }
0xd8: {  	s18 =	simm.s32 @!p0 $0x3  }
0xd9: {  	_ =	swait.ge @!p0 [sflag:s18], $0x3100  }
0xda: {  	s17 =	sadd.s32 $0x1, s17;
	s24 =	rddreg [dreg:$0x6]  }
0xdb: {  	p1 =	sne.s32 s17, s24  }
.Ltmp2:
0xdc: {  	_ = 	snop;
	(pc) =	sbr.rel @p1 .LBB2_1-.Ltmp2, $3  }
0xdd: {  	_ =	sdelay $0x1  }
0xde: {  	[sflag:s18] =	ssyncset.done @!p0 $0x0  }
0xdf: {  	[sflag:s18] =	ssyncadd.s32 @!p0 $0xFFFFCF00  }
0xe0: {  	_ =	sfence.sel $0x180000  }
0xe1: {  	[bflag:$0x0] =	sbarrier.arrive $0xFFFF  }
0xe2: {  	_ =	strace $0x90000047  }
0xe3: {  	s0 =	stileid.u32;
	[bflag:$0x2] =	sbarrier.arrive $0xFFFF  }
0xe4: {  	p0 =	sne.s32 s0, $0x0;
	s0 =	rddreg [dreg:$0x2]  }
0xe5: {  	s0 =	sadd.s32 @!p0 $0x100000, s0  }
0xe6: {  	[sflag:s0] =	ssyncadd.tile.s32 @!p0 $0x1;
	_ =	shalt  }
.Lfunc_end2:
_tile_overlayer_lowered:
.L_overlay_start_2:
0xe7: {  	(tag) =	ssettag $0x2  }
0xe8: {  	s0 =	rddreg [dreg:$0x0];
	s2 =	stileid.u32  }
0xe9: {  	s1 =	rddreg [dreg:$0x1];
	p0 =	sne.s32 s2, $0x0  }
0xea: {  	s3 =	rddreg [dreg:$0x2];
	[bflag:$0x3] =	sbarrier.arrive $0xFFFF;
	s2 =	simm.s32 @!p0 $0x1C03  }
0xeb: {  	[timem:s3], [sflag:s2] =	dma.local @!p0 [hbm:s0], s1  }
0xec: {  	s0 =	simm.s32 @!p0 $0x3  }
0xed: {  	_ =	swait.ge @!p0 [sflag:s0], s1  }
0xee: {  	s1 =	ssub.s32 @!p0 $0x0, s1;
	[sflag:s0] =	ssyncset.done @!p0 $0x0  }
0xef: {  	[sflag:s0] =	ssyncadd.s32 @!p0 s1  }
0xf0: {  	[bflag:$0x3] =	sbarrier.arrive $0xFFFF  }
0xf1: {  	_ =	shalt  }

// kernel: closed_call.22.cloned.1.call-start
scs
__scs_entry_jumppad:
0x0: {  	(pc) =	sbr.rel $0x88, $3  }
0x1: {  	(tag) =	ssettag $0x0;
	lr =	simm.s32 $0x1  }
0x2: {  	[smem:$0x3F89] =	sst lr;
	_ =	strace $0xD0000000  }
0x3: {  	_ = 	snop  }
0x4: {  	_ = 	snop  }
0x5: {  	_ = 	snop  }
0x6: {  	_ = 	snop  }
0x7: {  	_ = 	snop  }
__scs_overlays_trampoline_lowered:
0x8: {  	[smem:$0x3F98] =	sst s0  }
0x9: {  	[smem:$0x3F99] =	sst s1  }
0xa: {  	[smem:$0x3F9A] =	sst s2  }
0xb: {  	[smem:$0x3F9B] =	sst s3  }
0xc: {  	[smem:$0x3F9C] =	sst s4  }
0xd: {  	[smem:$0x3F9D] =	sst s5  }
0xe: {  	[smem:$0x3F9E] =	sst s6  }
0xf: {  	[smem:$0x3F9F] =	sst s7  }
0x10: {  	[smem:$0x3FA0] =	sst s8  }
0x11: {  	[smem:$0x3FA1] =	sst s9;
	s0 =	simm.s32 @!p0 $0x0  }
0x12: {  	s1 =	sld [smem:$0x3F87];
	s0 =	simm.s32 @p0 $0x1  }
0x13: {  	[smem:$0x3FA2] =	sst s0;
	s0 =	simm.s32 @!p1 $0x0  }
0x14: {  	s2 =	sld [smem:$0x3F86];
	s0 =	simm.s32 @p1 $0x1  }
0x15: {  	[smem:$0x3FA3] =	sst s0;
	s0 =	simm.s32 @!p2 $0x0  }
0x16: {  	s3 =	sld [smem:$0x3FDB];
	s0 =	simm.s32 @p2 $0x1  }
0x17: {  	s4 =	simm.s32 $0x1BF5;
	[smem:$0x3FA5] =	sst s0  }
0x18: {  	s0 =	sld [smem:$0x3F88];
	_ =	swait.ge [sflag:s4], $0x0  }
0x19: {  	s7 =	sld [smem:$0x3F89]  }
0x1a: {  	s8 =	sadd.s32 $0xFFFFE003, lr  }
0x1b: {  	s9 =	sadd.s32 $0xFFFFFEF7, lr;
	s5 =	simm.s32 $0xFFFFFFFF;
	p2 =	slt.u32 s8, $0xFFFFF086  }
0x1c: {  	p1 =	slt.u32 s9, $0xF7A;
	s5 =	simm.s32 @!p2 $0x0  }
0x1d: {  	s5 =	simm.s32 @p1 $0x1;
	p0 =	seq.s32 s7, s2  }
0x1e: {  	s7 =	smul.u32 @!p0 $0xF7A, s2;
	p2 =	seq.s32 @!p0 s5, $0x0  }
0x1f: {  	s9 =	smul.u32 $0xF7A, s1;
	s8 =	simm.s32 @!p0 $0x1BF5;
	p2 =	por !p2, p0  }
0x20: {  	[sflag:s8] =	ssyncset.s32 @!p0 $0xFFFFF086;
	s6 =	sadd.s32 @!p0 s3, s7;
	s7 =	simm.s32 @!p0 $0x108  }
0x21: {  	s3 =	sadd.s32 s3, s9;
	s6 =	sadd.s32 @!p0 $0x88, s6;
	s7 =	simm.s32 @p2 $0x1082  }
0x22: {  	[simem:s7], [sflag:s8] =	dma.local @!p0 [hbm:s6], $0xF7A  }
0x23: {  	s9 =	sor.u32 $0xD0000000, s2;
	s6 =	simm.s32 $0x108;
	_ =	swait.ge @!p0 [sflag:s8], $0x0  }
0x24: {  	s3 =	sadd.s32 $0x88, s3;
	s6 =	simm.s32 @!p1 $0x1082;
	[sflag:s4] =	ssyncset.s32 $0xFFFFF086  }
0x25: {  	[simem:s6], [sflag:s4] =	dma.local [hbm:s3], $0xF7A  }
0x26: {  	[smem:$0x3F89] =	sst s1;
	(tag) =	ssettag s2;
	_ =	strace s9  }
0x27: {  	s1 =	sld [smem:$0x3F99]  }
0x28: {  	s2 =	sld [smem:$0x3F9A]  }
0x29: {  	s4 =	sld [smem:$0x3F9C]  }
0x2a: {  	p0 =	seq.s32 s5, $0x0;
	s5 =	sld [smem:$0x3F9D]  }
0x2b: {  	s6 =	sld [smem:$0x3F9E]  }
0x2c: {  	s7 =	sld [smem:$0x3F9F]  }
0x2d: {  	s3 =	simm.s32 $0x108;
	s8 =	sld [smem:$0x3FA0]  }
0x2e: {  	s3 =	simm.s32 @!p0 $0x1082;
	s9 =	sld [smem:$0x3FA1]  }
0x2f: {  	lr =	sadd.s32 s0, s3;
	s0 =	sld [smem:$0x3F98]  }
0x30: {  	s3 =	sld [smem:$0x3F9B]  }
0x31: {  	[smem:$0x3FA4] =	sst s10  }
0x32: {  	s10 =	sld [smem:$0x3FA2];
	_ =	sdelay $0x3  }
0x33: {  	p0 =	seq.s32 s10, $0x1;
	s10 =	sld [smem:$0x3FA4];
	_ =	sdelay $0x3  }
0x34: {  	[smem:$0x3FA4] =	sst s10  }
0x35: {  	s10 =	sld [smem:$0x3FA3];
	_ =	sdelay $0x3  }
0x36: {  	p1 =	seq.s32 s10, $0x1;
	s10 =	sld [smem:$0x3FA4];
	_ =	sdelay $0x3  }
0x37: {  	[smem:$0x3FA4] =	sst s10  }
0x38: {  	s10 =	sld [smem:$0x3FA5]  }
0x39: {  	_ = 	snop;
	(pc) =	sbr.ind lr, $3  }
0x3a: {  	_ = 	snop  }
0x3b: {  	_ = 	snop  }
0x3c: {  	p2 =	seq.s32 s10, $0x1;
	s10 =	sld [smem:$0x3FA4]  }
0x3d: {  	_ =	shalt  }
0x3e: {  	_ =	shalt  }
0x3f: {  	_ =	shalt  }
0x40: {  	_ =	shalt  }
0x41: {  	_ =	shalt  }
0x42: {  	_ =	shalt  }
0x43: {  	_ =	shalt  }
0x44: {  	_ =	shalt  }
0x45: {  	_ =	shalt  }
0x46: {  	_ =	shalt  }
0x47: {  	_ =	shalt  }
0x48: {  	_ =	shalt  }
0x49: {  	_ =	shalt  }
0x4a: {  	_ =	shalt  }
0x4b: {  	_ =	shalt  }
0x4c: {  	_ =	shalt  }
0x4d: {  	_ =	shalt  }
0x4e: {  	_ =	shalt  }
0x4f: {  	_ =	shalt  }
0x50: {  	_ =	shalt  }
0x51: {  	_ =	shalt  }
0x52: {  	_ =	shalt  }
0x53: {  	_ =	shalt  }
0x54: {  	_ =	shalt  }
0x55: {  	_ =	shalt  }
0x56: {  	_ =	shalt  }
0x57: {  	_ =	shalt  }
0x58: {  	_ =	shalt  }
0x59: {  	_ =	shalt  }
0x5a: {  	_ =	shalt  }
0x5b: {  	_ =	shalt  }
0x5c: {  	_ =	shalt  }
0x5d: {  	_ =	shalt  }
0x5e: {  	_ =	shalt  }
0x5f: {  	_ =	shalt  }
0x60: {  	_ =	shalt  }
0x61: {  	_ =	shalt  }
0x62: {  	_ =	shalt  }
0x63: {  	_ =	shalt  }
0x64: {  	_ =	shalt  }
0x65: {  	_ =	shalt  }
0x66: {  	_ =	shalt  }
0x67: {  	_ =	shalt  }
0x68: {  	_ =	shalt  }
0x69: {  	_ =	shalt  }
0x6a: {  	_ =	shalt  }
0x6b: {  	_ =	shalt  }
0x6c: {  	_ =	shalt  }
0x6d: {  	_ =	shalt  }
0x6e: {  	_ =	shalt  }
0x6f: {  	_ =	shalt  }
0x70: {  	_ =	shalt  }
0x71: {  	_ =	shalt  }
0x72: {  	_ =	shalt  }
0x73: {  	_ =	shalt  }
0x74: {  	_ =	shalt  }
0x75: {  	_ =	shalt  }
0x76: {  	_ =	shalt  }
0x77: {  	_ =	shalt  }
0x78: {  	_ =	shalt  }
0x79: {  	_ =	shalt  }
0x7a: {  	_ =	shalt  }
0x7b: {  	_ =	shalt  }
0x7c: {  	_ =	shalt  }
0x7d: {  	_ =	shalt  }
0x7e: {  	_ =	shalt  }
0x7f: {  	_ =	shalt  }
0x80: {  	_ =	shalt  }
0x81: {  	_ =	shalt  }
0x82: {  	_ =	shalt  }
0x83: {  	_ =	shalt  }
0x84: {  	_ =	shalt  }
0x85: {  	_ =	shalt  }
0x86: {  	_ =	shalt  }
0x87: {  	_ =	shalt  }
.Lfunc_end0:
.L_simem_size_0:
called_computation.1_lowered:
.L_overlay_start_0:
0x88: {  	s2 =	sld [smem:$0x3FD9]  }
0x89: {  	s3 =	sld [smem:$0x3FFE];
	_ =	sdelay $0x1  }
0x8a: {  	s1 =	srdreg.scid  }
0x8b: {  	s0 =	sand.u32 $0x1, s1  }
0x8c: {  	s16 =	sshll.u32 s0, $0xA;
	s2 =	sadd.s32 s3, s2  }
0x8d: {  	s2 =	sadd.s32 s2, s16  }
0x8e: {  	[smem:$0x3FB0] =	sst s2  }
0x8f: {  	_ = 	snop  }
0x90: {  	(tm) =	ssettm $0x1  }
0x91: {  	s17 =	sld [smem:$0x3FFB];
	_ =	sdelay $0x3  }
0x92: {  	_ =	strace s17  }
0x93: {  	s2 =	sld [smem:$0x3FFC];
	_ =	sdelay $0x3  }
0x94: {  	_ =	strace s2  }
0x95: {  	s2 =	sld [smem:$0x3FFD];
	_ =	sdelay $0x3  }
0x96: {  	_ =	strace s2  }
0x97: {  	_ =	strace $0x8FFFFFFF  }
0x98: {  	s18 =	sld [smem:$0x3FDB];
	_ =	sdelay $0x1  }
0x99: {  	s19 =	simm.s32 $_scs_section_size  }
0x9a: {  	s4 =	simm.s32 $_size__tile_overlayer_lowered;
	s5 =	simm.s32 $_tile_overlayer_lowered  }
0x9b: {  	s22 =	simm.s32 $0x1BFF;
	s21 =	sshll.u32 s5, $0x1;
	s2 =	sadd.s32 s19, s18  }
0x9c: {  	s6 =	simm.s32 $0x0;
	s20 =	sshll.u32 s4, $0x1;
	s4 =	sadd.s32 s21, s2  }
0x9d: {  	[timem:s6], [sflag:s22] =	dma.local [hbm:s4], s20  }
0x9e: {  	_ =	swait.ge [sflag:s22], s20  }
0x9f: {  	s3 =	ssub.s32 $0x0, s20;
	[sflag:s22] =	ssyncset.done $0x0  }
0xa0: {  	[sflag:s22] =	ssyncadd.s32 s3;
	_ =	sdelay $0x1  }
0xa1: {  	s23 =	simm.s32 $0x1B8B  }
0xa2: {  	_ =	swait.ge [sflag:s23], $0x1  }
0xa3: {  	[sflag:s23] =	ssyncset.done $0x0  }
0xa4: {  	s25 =	simm.s32 $0x1B8E;
	s24 =	sld [smem:$0x3FFE];
	[sflag:s23] =	ssyncadd.s32 $0xFFFFFFFF  }
0xa5: {  	s26 =	simm.s32 $execute0_lowered;
	[smem:$0x3FD2] =	sst s25  }
0xa6: {  	s4 =	sshll.u32 s26, $0x1;
	_ =	strace $0x80000049;
	[dreg:$0x1] =	wrdreg $0xFFFFFFFF  }
0xa7: {  	s28 =	simm.s32 $_size_execute0_lowered;
	s2 =	sadd.s32 s2, s4;
	[dreg:$0x0] =	wrdreg $0x0  }
0xa8: {  	s4 =	sshll.u32 s28, $0x1;
	[dreg:$0x2] =	wrdreg s2  }
0xa9: {  	[dreg:$0x3] =	wrdreg s4  }
0xaa: {  	[dreg:$0x4] =	wrdreg $0xC0  }
0xab: {  	_ =	task [dreg:s6], $0x5FFFF  }
0xac: {  	[dreg:$0x1] =	wrdreg $0xFFFFFFFF  }
0xad: {  	[dreg:$0x0] =	wrdreg $0x60  }
0xae: {  	[dreg:$0x2] =	wrdreg s24  }
0xaf: {  	[dreg:$0x3] =	wrdreg $0x0  }
0xb0: {  	[dreg:$0x4] =	wrdreg $0x9  }
0xb1: {  	_ =	task.clear_ibuf [dreg:s6], $0x5FFFF;
	_ =	strace $0x90000049  }
0xb2: {  	s29 =	simm.s32 $0x9;
	_ =	strace $0x8000004B  }
0xb3: {  	_ =	swait.ge [sflag:s29], $0x1  }
0xb4: {  	[sflag:s29] =	ssyncadd.s32 $0xFFFFFFFF  }
0xb5: {  	_ =	strace $0x9000004B  }
0xb6: {  	_ =	sfence  }
0xb7: {  	s30 =	sld [smem:$0x0];
	_ =	sdelay $0x2  }
0xb8: {  	s31 =	sshll.u32 s1, $0xD;
	s1 =	sshrl.u32 s1, $0x2  }
0xb9: {  	s3 =	sand.u32 $0x4000, s31;
	s1 =	sadd.s32 s1, s30  }
0xba: {  	s0 =	sor.u32 s3, s0;
	s1 =	sshll.u32 s1, $0x11  }
0xbb: {  	s0 =	sor.u32 s1, s0  }
0xbc: {  	s0 =	sadd.s32 $0x8F2B, s0  }
0xbd: {  	[sflag:s0] =	ssyncadd.remote.s32 $0x1  }
0xbe: {  	_ =	sfence.sel $0xFFFF  }
0xbf: {  	[dreg:$0x0] =	wrdreg $0xFFFFFFFF;
	(pc) =	sbr.abs _section_cstart, $3  }
0xc0: {  	[dreg:$0x1] =	wrdreg $0xFFFFFFFF  }
0xc1: {  	_ =	task.clear_ibuf [dreg:s6], $0x2FFFF;
	_ =	strace $0x9FFFFFFF  }
0xc2: {  	(tm) =	ssettm $0x7FFFFFFF  }
0xc3: {  	_ =	shalt  }
tec
execute0_lowered:
.L_overlay_start_1:
0x0: {  	(tag) =	ssettag $0x1  }
0x1: {  	s0 =	rddreg [dreg:$0x0]  }
0x2: {  	s1 =	rddreg [dreg:$0x1];
	s3 =	simm.s32 $0x0;
	s11 =	stileid.u32  }
0x3: {  	s5 =	srdreg.scid;
	[smem:$0x7FF] =	sst s3;
	s4 =	sadd.s32 $0x43FE00, s0  }
0x4: {  	s2 =	sadd.s32 $0xF600, s0;
	s6 =	smul.u32 $0x62000, s11;
	s0 =	sadd.s32 $0x4A1A00, s0  }
0x5: {  	s7 =	sand.u32 $0x1, s5;
	s8 =	smul.u32 $0x18800, s11;
	p0 =	seq.s32 s11, $0xF  }
0x6: {  	s11 =	simm.s32 $0x3;
	s9 =	ssub.s32 $0x2, s7;
	s24 =	smul.u32 $0x186A00, s7  }
0x7: {  	s7 =	smul.u32 $0x188000, s7;
	s23 =	sshrl.u32 s6, $0x2;
	s10 =	sshrl.u32 s9, $0x1  }
0x8: {  	_ =	strace $0x8000004A;
	s5 =	sadd.s32 s23, s1;
	s9 =	ssub.s32 s9, s10  }
0x9: {  	s26 =	sadd.s32 s8, s24;
	s7 =	sadd.s32 s8, s7;
	s25 =	sadd.s32 $0x18000, s5  }
0xa: {  	s6 =	sshrl.u32 s24, $0x3;
	s12 =	smax.u32 s9, $0x1;
	[dreg:$0x3] =	wrdreg s25  }
0xb: {  	s8 =	sadd.s32 s8, s1;
	s13 =	sadd.s32 $0x1000, s5;
	[dreg:$0x6] =	wrdreg s12  }
0xc: {  	s10 =	sshrl.u32 s26, $0x3;
	s14 =	sadd.s32 $0x2000, s5;
	[dreg:$0x7] =	wrdreg s13  }
0xd: {  	s15 =	sadd.s32 $0x3000, s5;
	s16 =	sadd.s32 $0x4000, s5;
	[dreg:$0x8] =	wrdreg s14  }
0xe: {  	s17 =	sadd.s32 $0x5000, s5;
	s18 =	sadd.s32 $0x6000, s5;
	[dreg:$0x9] =	wrdreg s15  }
0xf: {  	s19 =	sadd.s32 $0x7000, s5;
	s20 =	sadd.s32 $0x8000, s5;
	[dreg:$0xa] =	wrdreg s16  }
0x10: {  	s21 =	sadd.s32 $0x9000, s5;
	s22 =	sadd.s32 $0xA000, s5;
	[dreg:$0xb] =	wrdreg s17  }
0x11: {  	s23 =	sshrl.u32 s7, $0x3;
	s7 =	sor.u32 $0x200, s7;
	[dreg:$0xc] =	wrdreg s18  }
0x12: {  	s24 =	sadd.s32 $0xB000, s5;
	s26 =	sadd.s32 $0xC000, s5;
	[dreg:$0xd] =	wrdreg s19  }
0x13: {  	s28 =	sadd.s32 $0xE000, s5;
	s29 =	sadd.s32 $0xF000, s5;
	[dreg:$0xe] =	wrdreg s20  }
0x14: {  	s30 =	sadd.s32 $0x10000, s5;
	s31 =	sadd.s32 $0x11000, s5;
	[dreg:$0xf] =	wrdreg s21  }
0x15: {  	s9 =	sadd.s32 $0x17000, s5;
	s10 =	sadd.s32 s0, s10;
	[dreg:$0x10] =	wrdreg s22  }
0x16: {  	s0 =	sadd.s32 s0, s6;
	[dreg:$0x11] =	wrdreg s24;
	s6 =	sadd.s32 s2, s23  }
0x17: {  	s25 =	sshrl.u32 s7, $0x3;
	[dreg:$0x13] =	wrdreg s26;
	s26 =	sadd.s32 $0xD000, s5  }
0x18: {  	s7 =	sadd.s32 $0x15000, s5;
	s12 =	simm.s32 $0x18800;
	s13 =	simm.s32 $0x80  }
0x19: {  	s14 =	simm.s32 $0x19C00;
	s15 =	simm.s32 $0x2;
	s16 =	simm.s32 $0x1  }
0x1a: {  	s17 =	simm.s32 $0x0;
	[dreg:$0x4] =	wrdreg s10;
	s0 =	sadd.s32 $0x2DF00, s0  }
0x1b: {  	[dreg:$0x12] =	wrdreg s6;
	s22 =	sadd.s32 s25, s2;
	s25 =	sshrl.u32 @!p0 s8, $0x3  }
0x1c: {  	s2 =	sadd.s32 $0x13000, s5;
	[dreg:$0x5] =	wrdreg s0;
	s0 =	sadd.s32 $0x16F800, s1  }
0x1d: {  	s6 =	sadd.s32 $0x14000, s5;
	s8 =	sadd.s32 $0x16000, s5;
	s0 =	sshrl.u32 @p0 s0, $0x3  }
0x1e: {  	v0 =	vimm.f32 $0.0e+00;
	s10 =	simm.s32 $0x18C00;
	[dreg:$0x14] =	wrdreg s0;
	s0 =	sadd.s32 $0x12000, s5  }
.LBB2_1:
0x1f: {  	s18 =	simm.s32 $0x80;
	s19 =	simm.s32 $0x0  }
.LBB2_2:
0x20: {  	p1 =	sne.s32 s18, $0x3F80;
	[tilespmem:s19+$0x18C00] =	vst v0;
	s20 =	smov.u32 s18;
	s18 =	sadd.s32 $0x80, s18  }
.Ltmp0:
0x21: {  	[tilespmem:s19+$0x18C10] =	vst v0;
	(pc) =	sbr.rel @p1 .LBB2_2-.Ltmp0, $2  }
0x22: {  	_ =	sdelay $0x2  }
0x23: {  	s19 =	sshra.s32 s20, $0x2  }
0x24: {  	[tilespmem:s19+$0x18C00] =	vst v0  }
0x25: {  	[tilespmem:s19+$0x18C10] =	vst v0  }
0x26: {  	[spmem:s5] =	stream.linear.scatter [tilespmem:s10], [sflag:$0x3], $0x1000, $0x38;
	[tilespmem:$0x1CC00] =	vst v63  }
0x27: {  	_ =	swait.ge [sflag:s11], $0x1000  }
0x28: {  	[sflag:s11] =	ssyncset.done $0x0  }
0x29: {  	s18 =	rddreg [dreg:$0x7];
	[sflag:s11] =	ssyncadd.s32 $0xFFFFF000  }
0x2a: {  	[spmem:s18] =	stream.linear.scatter [tilespmem:s10], [sflag:$0x3], $0x1000, $0x38;
	[tilespmem:$0x1CC00] =	vst v63  }
0x2b: {  	_ =	swait.ge [sflag:s11], $0x1000  }
0x2c: {  	[sflag:s11] =	ssyncset.done $0x0  }
0x2d: {  	s19 =	rddreg [dreg:$0x8];
	[sflag:s11] =	ssyncadd.s32 $0xFFFFF000  }
0x2e: {  	[spmem:s19] =	stream.linear.scatter [tilespmem:s10], [sflag:$0x3], $0x1000, $0x38;
	[tilespmem:$0x1CC00] =	vst v63  }
0x2f: {  	_ =	swait.ge [sflag:s11], $0x1000  }
0x30: {  	[sflag:s11] =	ssyncset.done $0x0  }
0x31: {  	s20 =	rddreg [dreg:$0x9];
	[sflag:s11] =	ssyncadd.s32 $0xFFFFF000  }
0x32: {  	[spmem:s20] =	stream.linear.scatter [tilespmem:s10], [sflag:$0x3], $0x1000, $0x38;
	[tilespmem:$0x1CC00] =	vst v63  }
0x33: {  	_ =	swait.ge [sflag:s11], $0x1000  }
0x34: {  	[sflag:s11] =	ssyncset.done $0x0  }
0x35: {  	s21 =	rddreg [dreg:$0xa];
	[sflag:s11] =	ssyncadd.s32 $0xFFFFF000  }
0x36: {  	[spmem:s21] =	stream.linear.scatter [tilespmem:s10], [sflag:$0x3], $0x1000, $0x38;
	[tilespmem:$0x1CC00] =	vst v63  }
0x37: {  	_ =	swait.ge [sflag:s11], $0x1000  }
0x38: {  	[sflag:s11] =	ssyncset.done $0x0  }
0x39: {  	s23 =	rddreg [dreg:$0xb];
	[sflag:s11] =	ssyncadd.s32 $0xFFFFF000  }
0x3a: {  	[spmem:s23] =	stream.linear.scatter [tilespmem:s10], [sflag:$0x3], $0x1000, $0x38;
	[tilespmem:$0x1CC00] =	vst v63  }
0x3b: {  	_ =	swait.ge [sflag:s11], $0x1000  }
0x3c: {  	[sflag:s11] =	ssyncset.done $0x0  }
0x3d: {  	s24 =	rddreg [dreg:$0xc];
	[sflag:s11] =	ssyncadd.s32 $0xFFFFF000  }
0x3e: {  	[spmem:s24] =	stream.linear.scatter [tilespmem:s10], [sflag:$0x3], $0x1000, $0x38;
	[tilespmem:$0x1CC00] =	vst v63  }
0x3f: {  	_ =	swait.ge [sflag:s11], $0x1000  }
0x40: {  	[sflag:s11] =	ssyncset.done $0x0  }
0x41: {  	s19 =	rddreg [dreg:$0xd];
	[sflag:s11] =	ssyncadd.s32 $0xFFFFF000  }
0x42: {  	[spmem:s19] =	stream.linear.scatter [tilespmem:s10], [sflag:$0x3], $0x1000, $0x38;
	[tilespmem:$0x1CC00] =	vst v63  }
0x43: {  	_ =	swait.ge [sflag:s11], $0x1000  }
0x44: {  	[sflag:s11] =	ssyncset.done $0x0  }
0x45: {  	s20 =	rddreg [dreg:$0xe];
	[sflag:s11] =	ssyncadd.s32 $0xFFFFF000  }
0x46: {  	[spmem:s20] =	stream.linear.scatter [tilespmem:s10], [sflag:$0x3], $0x1000, $0x38;
	[tilespmem:$0x1CC00] =	vst v63  }
0x47: {  	_ =	swait.ge [sflag:s11], $0x1000  }
0x48: {  	[sflag:s11] =	ssyncset.done $0x0  }
0x49: {  	s21 =	rddreg [dreg:$0xf];
	[sflag:s11] =	ssyncadd.s32 $0xFFFFF000  }
0x4a: {  	[spmem:s21] =	stream.linear.scatter [tilespmem:s10], [sflag:$0x3], $0x1000, $0x38;
	[tilespmem:$0x1CC00] =	vst v63  }
0x4b: {  	_ =	swait.ge [sflag:s11], $0x1000  }
0x4c: {  	[sflag:s11] =	ssyncset.done $0x0  }
0x4d: {  	s23 =	rddreg [dreg:$0x10];
	[sflag:s11] =	ssyncadd.s32 $0xFFFFF000  }
0x4e: {  	[spmem:s23] =	stream.linear.scatter [tilespmem:s10], [sflag:$0x3], $0x1000, $0x38;
	[tilespmem:$0x1CC00] =	vst v63  }
0x4f: {  	_ =	swait.ge [sflag:s11], $0x1000  }
0x50: {  	[sflag:s11] =	ssyncset.done $0x0  }
0x51: {  	s24 =	rddreg [dreg:$0x11];
	[sflag:s11] =	ssyncadd.s32 $0xFFFFF000  }
0x52: {  	[spmem:s24] =	stream.linear.scatter [tilespmem:s10], [sflag:$0x3], $0x1000, $0x38;
	[tilespmem:$0x1CC00] =	vst v63  }
0x53: {  	_ =	swait.ge [sflag:s11], $0x1000  }
0x54: {  	[sflag:s11] =	ssyncset.done $0x0  }
0x55: {  	s19 =	rddreg [dreg:$0x13];
	[sflag:s11] =	ssyncadd.s32 $0xFFFFF000  }
0x56: {  	[spmem:s19] =	stream.linear.scatter [tilespmem:s10], [sflag:$0x3], $0x1000, $0x38;
	[tilespmem:$0x1CC00] =	vst v63  }
0x57: {  	_ =	swait.ge [sflag:s11], $0x1000  }
0x58: {  	[sflag:s11] =	ssyncset.done $0x0  }
0x59: {  	[sflag:s11] =	ssyncadd.s32 $0xFFFFF000  }
0x5a: {  	[spmem:s26] =	stream.linear.scatter [tilespmem:s10], [sflag:$0x3], $0x1000, $0x38;
	[tilespmem:$0x1CC00] =	vst v63  }
0x5b: {  	_ =	swait.ge [sflag:s11], $0x1000  }
0x5c: {  	[sflag:s11] =	ssyncset.done $0x0  }
0x5d: {  	[sflag:s11] =	ssyncadd.s32 $0xFFFFF000  }
0x5e: {  	[spmem:s28] =	stream.linear.scatter [tilespmem:s10], [sflag:$0x3], $0x1000, $0x38;
	[tilespmem:$0x1CC00] =	vst v63  }
0x5f: {  	_ =	swait.ge [sflag:s11], $0x1000  }
0x60: {  	[sflag:s11] =	ssyncset.done $0x0  }
0x61: {  	[sflag:s11] =	ssyncadd.s32 $0xFFFFF000  }
0x62: {  	[spmem:s29] =	stream.linear.scatter [tilespmem:s10], [sflag:$0x3], $0x1000, $0x38;
	[tilespmem:$0x1CC00] =	vst v63  }
0x63: {  	_ =	swait.ge [sflag:s11], $0x1000  }
0x64: {  	[sflag:s11] =	ssyncset.done $0x0  }
0x65: {  	[sflag:s11] =	ssyncadd.s32 $0xFFFFF000  }
0x66: {  	[spmem:s30] =	stream.linear.scatter [tilespmem:s10], [sflag:$0x3], $0x1000, $0x38;
	[tilespmem:$0x1CC00] =	vst v63  }
0x67: {  	_ =	swait.ge [sflag:s11], $0x1000  }
0x68: {  	[sflag:s11] =	ssyncset.done $0x0  }
0x69: {  	[sflag:s11] =	ssyncadd.s32 $0xFFFFF000  }
0x6a: {  	[spmem:s31] =	stream.linear.scatter [tilespmem:s10], [sflag:$0x3], $0x1000, $0x38;
	[tilespmem:$0x1CC00] =	vst v63  }
0x6b: {  	_ =	swait.ge [sflag:s11], $0x1000  }
0x6c: {  	[sflag:s11] =	ssyncset.done $0x0  }
0x6d: {  	[sflag:s11] =	ssyncadd.s32 $0xFFFFF000  }
0x6e: {  	[spmem:s0] =	stream.linear.scatter [tilespmem:s10], [sflag:$0x3], $0x1000, $0x38;
	[tilespmem:$0x1CC00] =	vst v63  }
0x6f: {  	_ =	swait.ge [sflag:s11], $0x1000  }
0x70: {  	[sflag:s11] =	ssyncset.done $0x0  }
0x71: {  	[sflag:s11] =	ssyncadd.s32 $0xFFFFF000  }
0x72: {  	[spmem:s2] =	stream.linear.scatter [tilespmem:s10], [sflag:$0x3], $0x1000, $0x38;
	[tilespmem:$0x1CC00] =	vst v63  }
0x73: {  	_ =	swait.ge [sflag:s11], $0x1000  }
0x74: {  	[sflag:s11] =	ssyncset.done $0x0  }
0x75: {  	[sflag:s11] =	ssyncadd.s32 $0xFFFFF000  }
0x76: {  	[spmem:s6] =	stream.linear.scatter [tilespmem:s10], [sflag:$0x3], $0x1000, $0x38;
	[tilespmem:$0x1CC00] =	vst v63  }
0x77: {  	_ =	swait.ge [sflag:s11], $0x1000  }
0x78: {  	[sflag:s11] =	ssyncset.done $0x0  }
0x79: {  	[sflag:s11] =	ssyncadd.s32 $0xFFFFF000  }
0x7a: {  	[spmem:s7] =	stream.linear.scatter [tilespmem:s10], [sflag:$0x3], $0x1000, $0x38;
	[tilespmem:$0x1CC00] =	vst v63  }
0x7b: {  	_ =	swait.ge [sflag:s11], $0x1000  }
0x7c: {  	[sflag:s11] =	ssyncset.done $0x0  }
0x7d: {  	[sflag:s11] =	ssyncadd.s32 $0xFFFFF000  }
0x7e: {  	[spmem:s8] =	stream.linear.scatter [tilespmem:s10], [sflag:$0x3], $0x1000, $0x38;
	[tilespmem:$0x1CC00] =	vst v63  }
0x7f: {  	_ =	swait.ge [sflag:s11], $0x1000  }
0x80: {  	[sflag:s11] =	ssyncset.done $0x0  }
0x81: {  	[sflag:s11] =	ssyncadd.s32 $0xFFFFF000  }
0x82: {  	[spmem:s9] =	stream.linear.scatter [tilespmem:s10], [sflag:$0x3], $0x1000, $0x38;
	[tilespmem:$0x1CC00] =	vst v63  }
0x83: {  	_ =	swait.ge [sflag:s11], $0x1000  }
0x84: {  	[sflag:s11] =	ssyncset.done $0x0  }
0x85: {  	s20 =	rddreg [dreg:$0x3];
	[sflag:s11] =	ssyncadd.s32 $0xFFFFF000  }
0x86: {  	[spmem:s20] =	stream.linear.scatter [tilespmem:s10], [sflag:$0x3], $0x800, $0x38;
	[tilespmem:$0x1CC00] =	vst v63  }
0x87: {  	_ =	swait.ge [sflag:s11], $0x800  }
0x88: {  	[sflag:s11] =	ssyncset.done $0x0  }
0x89: {  	[sflag:s11] =	ssyncadd.s32 $0xFFFFF800  }
0x8a: {  	[bflag:$0x0] =	sbarrier.arrive $0xFFFF  }
0x8b: {  	s21 =	rddreg [dreg:$0x12]  }
0x8c: {  	[tilespmem:s12], [sflag:$0x3] =	stream.linear.gather [hbm4b:s21+s3], $0x200, $0x38;
	[tilespmem:$0x1CC00] =	vst v63  }
0x8d: {  	_ =	swait.ge [sflag:s11], $0x200  }
0x8e: {  	[sflag:s11] =	ssyncset.done $0x0  }
0x8f: {  	[sflag:s11] =	ssyncadd.s32 $0xFFFFFE00  }
0x90: {  	[tilespmem:s10], [sflag:$0x1] =	stream.indirect.gather [hbm4b:s4+s13], $0x20, s12, s13, $0xb8;
	[tilespmem:$0x1CC00] =	vst v63  }
0x91: {  	s23 =	simm.s32 $0x18900;
	s24 =	simm.s32 $0x1  }
0x92: {  	[tilespmem:s14], [sflag:$0x1] =	stream.indirect.gather [hbm4b:s4+s13], $0x20, s23, s13, $0xb8;
	[tilespmem:$0x1CC00] =	vst v63  }
0x93: {  	_ =	swait.ge [sflag:s24], $0x1000  }
0x94: {  	[sflag:s24] =	ssyncset.done $0x0  }
0x95: {  	[sflag:s24] =	ssyncadd.s32 $0xFFFFF000  }
0x96: {  	_ =	swait.ge [sflag:s24], $0x1000  }
0x97: {  	[sflag:s24] =	ssyncset.done $0x0  }
0x98: {  	s20 =	simm.s32 $0x18880;
	[sflag:s24] =	ssyncadd.s32 $0xFFFFF000  }
0x99: {  	[spmem:s1] =	stream.indirect.scatter.add.f32 [tilespmem:s10], [sflag:$0x2], $0x20, s20, s13, $0xb8;
	[tilespmem:$0x1CC00] =	vst v63  }
0x9a: {  	s21 =	simm.s32 $0x18980  }
0x9b: {  	[spmem:s1] =	stream.indirect.scatter.add.f32 [tilespmem:s14], [sflag:$0x2], $0x20, s21, s13, $0xb8;
	[tilespmem:$0x1CC00] =	vst v63  }
0x9c: {  	_ =	swait.ge [sflag:s15], $0x1000  }
0x9d: {  	[sflag:s15] =	ssyncset.done $0x0  }
0x9e: {  	[sflag:s15] =	ssyncadd.s32 $0xFFFFF000  }
0x9f: {  	s18 =	sand.u32 $0x1, s24;
	_ =	swait.ge [sflag:s15], $0x1000  }
0xa0: {  	s19 =	sshll.u32 s18, $0x9;
	[sflag:s15] =	ssyncset.done $0x0  }
0xa1: {  	s20 =	sor.u32 $0x18800, s19;
	[sflag:s15] =	ssyncadd.s32 $0xFFFFF000  }
0xa2: {  	[tilespmem:s20], [sflag:$0x3] =	stream.linear.gather [hbm4b:s22+s3], $0x200, $0x38;
	[tilespmem:$0x1CC00] =	vst v63  }
0xa3: {  	_ =	swait.ge [sflag:s11], $0x200  }
0xa4: {  	s18 =	sshll.u32 s18, $0xD;
	[sflag:s11] =	ssyncset.done $0x0  }
0xa5: {  	s21 =	sor.u32 $0x18C00, s18;
	[sflag:s11] =	ssyncadd.s32 $0xFFFFFE00  }
0xa6: {  	[tilespmem:s21], [sflag:$0x1] =	stream.indirect.gather [hbm4b:s4+s13], $0x20, s20, s13, $0xb8;
	[tilespmem:$0x1CC00] =	vst v63  }
0xa7: {  	s23 =	sor.u32 $0x18900, s19;
	s20 =	sor.u32 $0x19C00, s18  }
0xa8: {  	[tilespmem:s20], [sflag:$0x1] =	stream.indirect.gather [hbm4b:s4+s13], $0x20, s23, s13, $0xb8;
	[tilespmem:$0x1CC00] =	vst v63  }
0xa9: {  	_ =	swait.ge [sflag:s16], $0x1000  }
0xaa: {  	[sflag:s16] =	ssyncset.done $0x0  }
0xab: {  	[sflag:s16] =	ssyncadd.s32 $0xFFFFF000  }
0xac: {  	_ =	swait.ge [sflag:s16], $0x1000  }
0xad: {  	[sflag:s16] =	ssyncset.done $0x0  }
0xae: {  	s24 =	sor.u32 $0x18880, s19;
	[sflag:s16] =	ssyncadd.s32 $0xFFFFF000  }
0xaf: {  	[spmem:s1] =	stream.indirect.scatter.add.f32 [tilespmem:s21], [sflag:$0x2], $0x20, s24, s13, $0xb8;
	[tilespmem:$0x1CC00] =	vst v63  }
0xb0: {  	s18 =	simm.s32 $0x2;
	s21 =	sor.u32 $0x18980, s19;
	s19 =	sadd.s32 $0x40, s22  }
.LBB2_4:
0xb1: {  	[spmem:s1] =	stream.indirect.scatter.add.f32 [tilespmem:s20], [sflag:$0x2], $0x20, s21, s13, $0xb8;
	[tilespmem:$0x1CC00] =	vst v63  }
0xb2: {  	s20 =	smov.u32 s18  }
0xb3: {  	p1 =	sne.s32 s18, $0xC3;
	s18 =	sadd.s32 $0x1, s18;
	_ =	swait.ge [sflag:s15], $0x1000  }
0xb4: {  	[sflag:s15] =	ssyncset.done $0x0  }
0xb5: {  	[sflag:s15] =	ssyncadd.s32 $0xFFFFF000  }
0xb6: {  	s20 =	sand.u32 $0x1, s20;
	_ =	swait.ge [sflag:s15], $0x1000  }
0xb7: {  	s21 =	sshll.u32 s20, $0x9;
	s20 =	sshll.u32 s20, $0xD;
	[sflag:s15] =	ssyncset.done $0x0  }
0xb8: {  	s23 =	sor.u32 $0x18800, s21;
	[sflag:s15] =	ssyncadd.s32 $0xFFFFF000  }
0xb9: {  	[tilespmem:s23], [sflag:$0x3] =	stream.linear.gather [hbm4b:s19+s3], $0x200, $0x38;
	[tilespmem:$0x1CC00] =	vst v63  }
0xba: {  	_ =	swait.ge [sflag:s11], $0x200  }
0xbb: {  	[sflag:s11] =	ssyncset.done $0x0  }
0xbc: {  	s24 =	sor.u32 $0x18C00, s20;
	[sflag:s11] =	ssyncadd.s32 $0xFFFFFE00  }
0xbd: {  	[tilespmem:s24], [sflag:$0x1] =	stream.indirect.gather [hbm4b:s4+s13], $0x20, s23, s13, $0xb8;
	[tilespmem:$0x1CC00] =	vst v63  }
0xbe: {  	s20 =	sor.u32 $0x19C00, s20;
	s23 =	sor.u32 $0x18900, s21  }
0xbf: {  	[tilespmem:s20], [sflag:$0x1] =	stream.indirect.gather [hbm4b:s4+s13], $0x20, s23, s13, $0xb8;
	[tilespmem:$0x1CC00] =	vst v63  }
0xc0: {  	_ =	swait.ge [sflag:s16], $0x1000  }
0xc1: {  	[sflag:s16] =	ssyncset.done $0x0  }
0xc2: {  	[sflag:s16] =	ssyncadd.s32 $0xFFFFF000  }
.Ltmp1:
0xc3: {  	_ =	swait.ge [sflag:s16], $0x1000;
	(pc) =	sbr.rel @p1 .LBB2_4-.Ltmp1, $4  }
0xc4: {  	[sflag:s16] =	ssyncset.done $0x0  }
0xc5: {  	s23 =	sor.u32 $0x18880, s21;
	[sflag:s16] =	ssyncadd.s32 $0xFFFFF000  }
0xc6: {  	[spmem:s1] =	stream.indirect.scatter.add.f32 [tilespmem:s24], [sflag:$0x2], $0x20, s23, s13, $0xb8;
	[tilespmem:$0x1CC00] =	vst v63  }
0xc7: {  	s19 =	sadd.s32 $0x40, s19;
	s21 =	sor.u32 $0x18980, s21  }
0xc8: {  	[spmem:s1] =	stream.indirect.scatter.add.f32 [tilespmem:s20], [sflag:$0x2], $0x20, s21, s13, $0xb8;
	[tilespmem:$0x1CC00] =	vst v63  }
0xc9: {  	_ =	swait.ge [sflag:s15], $0x1000  }
0xca: {  	[sflag:s15] =	ssyncset.done $0x0  }
0xcb: {  	[sflag:s15] =	ssyncadd.s32 $0xFFFFF000  }
0xcc: {  	_ =	swait.ge [sflag:s15], $0x1000  }
0xcd: {  	[sflag:s15] =	ssyncset.done $0x0  }
0xce: {  	[sflag:s15] =	ssyncadd.s32 $0xFFFFF000  }
0xcf: {  	[bflag:$0x0] =	sbarrier.arrive $0xFFFF  }
0xd0: {  	s19 =	rddreg [dreg:$0x5]  }
0xd1: {  	s18 =	simm.s32 @p0 $0x1FC3;
	s20 =	rddreg [dreg:$0x14]  }
0xd2: {  	[hbm:s19], [sflag:s18] =	dma.local @p0 [spmem:s20], $0x2E40  }
0xd3: {  	s18 =	simm.s32 @p0 $0x3  }
0xd4: {  	s19 =	stileid.u32;
	_ =	swait.ge @p0 [sflag:s18], $0x2E40  }
0xd5: {  	s19 =	sshll.u32 @!p0 s19, $0x6;
	[sflag:s18] =	ssyncset.done @p0 $0x0  }
0xd6: {  	[sflag:s18] =	ssyncadd.s32 @p0 $0xFFFFD1C0;
	s18 =	sor.u32 @!p0 $0x1C03, s19;
	s19 =	rddreg [dreg:$0x4]  }
0xd7: {  	[hbm:s19], [sflag:s18] =	dma.local @!p0 [spmem:s25], $0x3100  }
0xd8: {  	s18 =	simm.s32 @!p0 $0x3  }
0xd9: {  	_ =	swait.ge @!p0 [sflag:s18], $0x3100  }
0xda: {  	s17 =	sadd.s32 $0x1, s17;
	s24 =	rddreg [dreg:$0x6]  }
0xdb: {  	p1 =	sne.s32 s17, s24  }
.Ltmp2:
0xdc: {  	_ = 	snop;
	(pc) =	sbr.rel @p1 .LBB2_1-.Ltmp2, $3  }
0xdd: {  	_ =	sdelay $0x1  }
0xde: {  	[sflag:s18] =	ssyncset.done @!p0 $0x0  }
0xdf: {  	[sflag:s18] =	ssyncadd.s32 @!p0 $0xFFFFCF00  }
0xe0: {  	_ =	sfence.sel $0x180000  }
0xe1: {  	[bflag:$0x0] =	sbarrier.arrive $0xFFFF  }
0xe2: {  	_ =	strace $0x9000004A  }
0xe3: {  	s0 =	stileid.u32;
	[bflag:$0x2] =	sbarrier.arrive $0xFFFF  }
0xe4: {  	p0 =	sne.s32 s0, $0x0;
	s0 =	rddreg [dreg:$0x2]  }
0xe5: {  	s0 =	sadd.s32 @!p0 $0x100000, s0  }
0xe6: {  	[sflag:s0] =	ssyncadd.tile.s32 @!p0 $0x1;
	_ =	shalt  }
.Lfunc_end2:
_tile_overlayer_lowered:
.L_overlay_start_2:
0xe7: {  	(tag) =	ssettag $0x2  }
0xe8: {  	s0 =	rddreg [dreg:$0x0];
	s2 =	stileid.u32  }
0xe9: {  	s1 =	rddreg [dreg:$0x1];
	p0 =	sne.s32 s2, $0x0  }
0xea: {  	s3 =	rddreg [dreg:$0x2];
	[bflag:$0x3] =	sbarrier.arrive $0xFFFF;
	s2 =	simm.s32 @!p0 $0x1C03  }
0xeb: {  	[timem:s3], [sflag:s2] =	dma.local @!p0 [hbm:s0], s1  }
0xec: {  	s0 =	simm.s32 @!p0 $0x3  }
0xed: {  	_ =	swait.ge @!p0 [sflag:s0], s1  }
0xee: {  	s1 =	ssub.s32 @!p0 $0x0, s1;
	[sflag:s0] =	ssyncset.done @!p0 $0x0  }
0xef: {  	[sflag:s0] =	ssyncadd.s32 @!p0 s1  }
0xf0: {  	[bflag:$0x3] =	sbarrier.arrive $0xFFFF  }
0xf1: {  	_ =	shalt  }

</sc_bundles>
